<compile_context>
chip_gen: v7x
topology: tpu7x:2x2x1
jax: 0.10.2.dev20260603
libtpu: 0.0.44.dev20260713+nightly
codegen_flags: <defaults>
</compile_context>

<pallas_src>
import functools

import jax
import jax.numpy as jnp
from jax import lax
from jax.experimental import pallas as pl
from jax.experimental.pallas import tpu as pltpu
from jax.experimental.pallas import tpu_sc as plsc

NC = 2
NS = 16
NW = NC * NS

D = 64
GL = 100
GP = 4
CHUNK = GL * GP
NBUF = 4


@functools.partial(jax.jit, static_argnums=(2,))
def _sc_gather(table, idx, total):
    per_w = total // NW
    nch = per_w // CHUNK
    assert nch % NBUF == 0 and nch >= 2 * NBUF
    mesh = plsc.VectorSubcoreMesh(core_axis_name="c", subcore_axis_name="s")

    @functools.partial(
        pl.kernel,
        mesh=mesh,
        compiler_params=pltpu.CompilerParams(use_tc_tiling_on_sc=False),
        out_type=jax.ShapeDtypeStruct((total, D), jnp.float32),
        scratch_types=[
            pltpu.VMEM((per_w // GL, GL), jnp.int32),
            pltpu.VMEM((NBUF, CHUNK, D), jnp.float32),
        ]
        + [pltpu.SemaphoreType.DMA] * NBUF
        + [pltpu.SemaphoreType.DMA] * NBUF,
    )
    def k(table_hbm, idx_hbm, out_hbm, idx_v, rows_v, *sems):
        gsem = sems[:NBUF]
        wsem = sems[NBUF:]
        wid = lax.axis_index("s") * NC + lax.axis_index("c")
        base = wid * per_w
        pltpu.sync_copy(idx_hbm.at[wid], idx_v)

        def issue_gather(ch, b):
            for j in range(GP):
                pltpu.async_copy(
                    table_hbm.at[idx_v.at[ch * GP + j]],
                    rows_v.at[b, pl.ds(j * GL, GL)],
                    gsem[b],
                )

        def drain(sem, b):
            pltpu.make_async_copy(
                out_hbm.at[pl.ds(base, CHUNK)], rows_v.at[b], sem
            ).wait()

        for b in range(NBUF - 1):
            issue_gather(b, b)

        @pl.loop(0, nch, step=NBUF)
        def _(ch0):
            for b in range(NBUF):
                ch = ch0 + b
                nxt = ch + NBUF - 1
                nb = (b + NBUF - 1) % NBUF

                @pl.when(jnp.logical_and(nxt < nch, nxt >= NBUF))
                def _():
                    drain(wsem[nb], nb)

                @pl.when(nxt < nch)
                def _():
                    issue_gather(nxt, nb)

                drain(gsem[b], b)
                pltpu.async_copy(
                    rows_v.at[b],
                    out_hbm.at[pl.ds(base + ch * CHUNK, CHUNK)],
                    wsem[b],
                )

        for b in range(NBUF):
            drain(wsem[b], b)

    return k(table, idx)


def kernel(word_indices, word_embedding_weight):
    batch, seq = word_indices.shape
    total = batch * seq
    idx = word_indices.reshape(-1).astype(jnp.int32)
    idx = idx.reshape(NW, (total // NW) // GL, GL)
    out = _sc_gather(word_embedding_weight, idx, total)
    return out.reshape(batch, seq, D)

# --- scband reference (transcript-rebuilt; emitter-appended) ---
"""Pipeline reference for scband-embedding-24352464569521 (READ-ONLY COPY).

The authoritative reference and input builder live on the scoring server;
editing this copy changes nothing except your own understanding.
"""

import jax, jax.numpy as jnp
import numpy as np

WORD_VOCAB_SIZE = 1000000
WORD_EMBED_SIZE = 64
BATCH = 4096
SEQ = 200


def setup_inputs(seed: int = 0) -> dict:
    key = jax.random.key(seed)
    k_idx, k_tab = jax.random.split(key)
    word_indices = jax.random.randint(k_idx, (BATCH, SEQ), 0, WORD_VOCAB_SIZE)
    # nn.Embedding default init: N(0, 1)
    word_embedding_weight = jax.random.normal(
        k_tab, (WORD_VOCAB_SIZE, WORD_EMBED_SIZE), dtype=jnp.float32
    )
    return {
        "word_indices": word_indices,
        "word_embedding_weight": word_embedding_weight,
    }


def reference(word_indices, word_embedding_weight):
    # Embedding.forward with char_embedding=False, positional_encoding=False:
    # word_vector = self.word_embedding(word_indices)
    word_vector = jnp.take(word_embedding_weight, word_indices, axis=0)
    return word_vector

if __name__ == "__main__":
    import jax
    _d = setup_inputs()
    print(jax.jit(kernel)(*tuple(_d.values())))

</pallas_src>

<mosaic_0001>
#map = affine_map<(d0, d1) -> (0, 0)>
#map1 = affine_map<(d0, d1) -> (0, 0, 0)>
module attributes {stable_mosaic.version = 14 : i64} {
  func.func @k(%arg0: i32, %arg1: i32, %arg2: memref<1000000x64xf32, #tpu.memory_space<hbm>>, %arg3: memref<32x256x100xi32, #tpu.memory_space<hbm>>, %arg4: memref<819200x64xf32, #tpu.memory_space<hbm>>, %arg5: memref<256x100xi32, #tpu.memory_space<vmem>>, %arg6: memref<4x400x64xf32, #tpu.memory_space<vmem>>, %arg7: memref<!tpu.dma_semaphore, #tpu.memory_space<semaphore_mem>>, %arg8: memref<!tpu.dma_semaphore, #tpu.memory_space<semaphore_mem>>, %arg9: memref<!tpu.dma_semaphore, #tpu.memory_space<semaphore_mem>>, %arg10: memref<!tpu.dma_semaphore, #tpu.memory_space<semaphore_mem>>, %arg11: memref<!tpu.dma_semaphore, #tpu.memory_space<semaphore_mem>>, %arg12: memref<!tpu.dma_semaphore, #tpu.memory_space<semaphore_mem>>, %arg13: memref<!tpu.dma_semaphore, #tpu.memory_space<semaphore_mem>>, %arg14: memref<!tpu.dma_semaphore, #tpu.memory_space<semaphore_mem>>) attributes {dimension_semantics = [#tpu.dimension_semantics<core_parallel>, #tpu.dimension_semantics<subcore_parallel>], iteration_bounds = array<i64: 2, 16>, scalar_prefetch = 0 : i64, scratch_operands = 10 : i64, tpu.core_type = #tpu.core_type<sc_vector_subcore>, window_params = [{transform_indices = #map}, {transform_indices = #map1}, {transform_indices = #map}]} {
    %mul3A = arith.constant 2 : i32
    %mul3A_0 = arith.muli %arg1, %mul3A : i32
    %add3A = arith.addi %mul3A_0, %arg0 : i32
    %mul3A_1 = arith.constant 25600 : i32
    %mul3A_2 = arith.muli %add3A, %mul3A_1 : i32
    "tpu.region"() ({
      %run_scoped3A = tpu.sem_alloc : memref<!tpu.dma_semaphore, #tpu.memory_space<semaphore_mem>>
      %dma_start3A_201 = arith.constant 0 : i32
      %dma_start3A_202 = arith.constant 0 : i32
      %dma_start3A_203 = tpu.memref_slice %arg3[%add3A, %dma_start3A_201, %dma_start3A_202] : memref<32x256x100xi32, #tpu.memory_space<hbm>> -> memref<1x256x100xi32, #tpu.memory_space<hbm>>
      %dma_start3A_204 = tpu.memref_squeeze %dma_start3A_203 : memref<1x256x100xi32, #tpu.memory_space<hbm>> -> memref<256x100xi32, #tpu.memory_space<hbm>>
      %dma_start3A_205 = arith.constant 0 : i32
      %dma_start3A_206 = arith.constant 0 : i32
      %dma_start3A_207 = tpu.memref_slice %arg3[%add3A, %dma_start3A_205, %dma_start3A_206] : memref<32x256x100xi32, #tpu.memory_space<hbm>> -> memref<1x256x100xi32, #tpu.memory_space<hbm>>
      %dma_start3A_208 = tpu.memref_squeeze %dma_start3A_207 : memref<1x256x100xi32, #tpu.memory_space<hbm>> -> memref<256x100xi32, #tpu.memory_space<hbm>>
      tpu.enqueue_dma source(%dma_start3A_208 : memref<256x100xi32, #tpu.memory_space<hbm>>) target(%arg5 : memref<256x100xi32, #tpu.memory_space<vmem>>) target_semaphore(%run_scoped3A : memref<!tpu.dma_semaphore, #tpu.memory_space<semaphore_mem>>)
      %dma_wait3A_209 = arith.constant 0 : i32
      %dma_wait3A_210 = arith.constant 0 : i32
      %dma_wait3A_211 = tpu.memref_slice %arg3[%add3A, %dma_wait3A_209, %dma_wait3A_210] : memref<32x256x100xi32, #tpu.memory_space<hbm>> -> memref<1x256x100xi32, #tpu.memory_space<hbm>>
      %dma_wait3A_212 = tpu.memref_squeeze %dma_wait3A_211 : memref<1x256x100xi32, #tpu.memory_space<hbm>> -> memref<256x100xi32, #tpu.memory_space<hbm>>
      %dma_wait3A_213 = arith.constant 0 : i32
      %dma_wait3A_214 = arith.constant 0 : i32
      %dma_wait3A_215 = tpu.memref_slice %arg3[%add3A, %dma_wait3A_213, %dma_wait3A_214] : memref<32x256x100xi32, #tpu.memory_space<hbm>> -> memref<1x256x100xi32, #tpu.memory_space<hbm>>
      %dma_wait3A_216 = tpu.memref_squeeze %dma_wait3A_215 : memref<1x256x100xi32, #tpu.memory_space<hbm>> -> memref<256x100xi32, #tpu.memory_space<hbm>>
      tpu.wait_dma2 semaphore(%run_scoped3A : memref<!tpu.dma_semaphore, #tpu.memory_space<semaphore_mem>>) src(%dma_wait3A_216 : memref<256x100xi32, #tpu.memory_space<hbm>>) dst(%arg5 : memref<256x100xi32, #tpu.memory_space<vmem>>)
      tpu.yield
    }) : () -> ()
    %dma_start3A = arith.constant 0 : i32
    %dma_start3A_3 = arith.constant 0 : i32
    %dma_start3A_4 = arith.constant 0 : i32
    %dma_start3A_5 = arith.constant 0 : i32
    %dma_start3A_6 = tpu.memref_slice %arg6[%dma_start3A_3, %dma_start3A_4, %dma_start3A_5] : memref<4x400x64xf32, #tpu.memory_space<vmem>> -> memref<1x100x64xf32, #tpu.memory_space<vmem>>
    %dma_start3A_7 = tpu.memref_squeeze %dma_start3A_6 : memref<1x100x64xf32, #tpu.memory_space<vmem>> -> memref<100x64xf32, #tpu.memory_space<vmem>>
    %dma_start3A_8 = arith.constant 0 : i32
    %dma_start3A_9 = tpu.memref_slice %arg5[%dma_start3A, %dma_start3A_8] : memref<256x100xi32, #tpu.memory_space<vmem>> -> memref<1x100xi32, #tpu.memory_space<vmem>>
    %dma_start3A_10 = tpu.memref_squeeze %dma_start3A_9 : memref<1x100xi32, #tpu.memory_space<vmem>> -> memref<100xi32, #tpu.memory_space<vmem>>
    %dma_start3A_11 = arith.constant 0 : i32
    %dma_start3A_12 = arith.constant 0 : i32
    %dma_start3A_13 = tpu.memref_slice %arg2[%dma_start3A_11, %dma_start3A_12] : memref<1000000x64xf32, #tpu.memory_space<hbm>> -> memref<1000000x64xf32, #tpu.memory_space<hbm>>
    tpu.enqueue_indirect_dma source(%dma_start3A_13 : memref<1000000x64xf32, #tpu.memory_space<hbm>>) target(%dma_start3A_7 : memref<100x64xf32, #tpu.memory_space<vmem>>) offsets(%dma_start3A_10 : memref<100xi32, #tpu.memory_space<vmem>>) semaphore(%arg7 : memref<!tpu.dma_semaphore, #tpu.memory_space<semaphore_mem>>)
    %dma_start3A_14 = arith.constant 1 : i32
    %dma_start3A_15 = arith.constant 0 : i32
    %dma_start3A_16 = arith.constant 100 : i32
    %dma_start3A_17 = arith.constant 0 : i32
    %dma_start3A_18 = tpu.memref_slice %arg6[%dma_start3A_15, %dma_start3A_16, %dma_start3A_17] : memref<4x400x64xf32, #tpu.memory_space<vmem>> -> memref<1x100x64xf32, #tpu.memory_space<vmem>>
    %dma_start3A_19 = tpu.memref_squeeze %dma_start3A_18 : memref<1x100x64xf32, #tpu.memory_space<vmem>> -> memref<100x64xf32, #tpu.memory_space<vmem>>
    %dma_start3A_20 = arith.constant 0 : i32
    %dma_start3A_21 = tpu.memref_slice %arg5[%dma_start3A_14, %dma_start3A_20] : memref<256x100xi32, #tpu.memory_space<vmem>> -> memref<1x100xi32, #tpu.memory_space<vmem>>
    %dma_start3A_22 = tpu.memref_squeeze %dma_start3A_21 : memref<1x100xi32, #tpu.memory_space<vmem>> -> memref<100xi32, #tpu.memory_space<vmem>>
    %dma_start3A_23 = arith.constant 0 : i32
    %dma_start3A_24 = arith.constant 0 : i32
    %dma_start3A_25 = tpu.memref_slice %arg2[%dma_start3A_23, %dma_start3A_24] : memref<1000000x64xf32, #tpu.memory_space<hbm>> -> memref<1000000x64xf32, #tpu.memory_space<hbm>>
    tpu.enqueue_indirect_dma source(%dma_start3A_25 : memref<1000000x64xf32, #tpu.memory_space<hbm>>) target(%dma_start3A_19 : memref<100x64xf32, #tpu.memory_space<vmem>>) offsets(%dma_start3A_22 : memref<100xi32, #tpu.memory_space<vmem>>) semaphore(%arg7 : memref<!tpu.dma_semaphore, #tpu.memory_space<semaphore_mem>>)
    %dma_start3A_26 = arith.constant 2 : i32
    %dma_start3A_27 = arith.constant 0 : i32
    %dma_start3A_28 = arith.constant 200 : i32
    %dma_start3A_29 = arith.constant 0 : i32
    %dma_start3A_30 = tpu.memref_slice %arg6[%dma_start3A_27, %dma_start3A_28, %dma_start3A_29] : memref<4x400x64xf32, #tpu.memory_space<vmem>> -> memref<1x100x64xf32, #tpu.memory_space<vmem>>
    %dma_start3A_31 = tpu.memref_squeeze %dma_start3A_30 : memref<1x100x64xf32, #tpu.memory_space<vmem>> -> memref<100x64xf32, #tpu.memory_space<vmem>>
    %dma_start3A_32 = arith.constant 0 : i32
    %dma_start3A_33 = tpu.memref_slice %arg5[%dma_start3A_26, %dma_start3A_32] : memref<256x100xi32, #tpu.memory_space<vmem>> -> memref<1x100xi32, #tpu.memory_space<vmem>>
    %dma_start3A_34 = tpu.memref_squeeze %dma_start3A_33 : memref<1x100xi32, #tpu.memory_space<vmem>> -> memref<100xi32, #tpu.memory_space<vmem>>
    %dma_start3A_35 = arith.constant 0 : i32
    %dma_start3A_36 = arith.constant 0 : i32
    %dma_start3A_37 = tpu.memref_slice %arg2[%dma_start3A_35, %dma_start3A_36] : memref<1000000x64xf32, #tpu.memory_space<hbm>> -> memref<1000000x64xf32, #tpu.memory_space<hbm>>
    tpu.enqueue_indirect_dma source(%dma_start3A_37 : memref<1000000x64xf32, #tpu.memory_space<hbm>>) target(%dma_start3A_31 : memref<100x64xf32, #tpu.memory_space<vmem>>) offsets(%dma_start3A_34 : memref<100xi32, #tpu.memory_space<vmem>>) semaphore(%arg7 : memref<!tpu.dma_semaphore, #tpu.memory_space<semaphore_mem>>)
    %dma_start3A_38 = arith.constant 3 : i32
    %dma_start3A_39 = arith.constant 0 : i32
    %dma_start3A_40 = arith.constant 300 : i32
    %dma_start3A_41 = arith.constant 0 : i32
    %dma_start3A_42 = tpu.memref_slice %arg6[%dma_start3A_39, %dma_start3A_40, %dma_start3A_41] : memref<4x400x64xf32, #tpu.memory_space<vmem>> -> memref<1x100x64xf32, #tpu.memory_space<vmem>>
    %dma_start3A_43 = tpu.memref_squeeze %dma_start3A_42 : memref<1x100x64xf32, #tpu.memory_space<vmem>> -> memref<100x64xf32, #tpu.memory_space<vmem>>
    %dma_start3A_44 = arith.constant 0 : i32
    %dma_start3A_45 = tpu.memref_slice %arg5[%dma_start3A_38, %dma_start3A_44] : memref<256x100xi32, #tpu.memory_space<vmem>> -> memref<1x100xi32, #tpu.memory_space<vmem>>
    %dma_start3A_46 = tpu.memref_squeeze %dma_start3A_45 : memref<1x100xi32, #tpu.memory_space<vmem>> -> memref<100xi32, #tpu.memory_space<vmem>>
    %dma_start3A_47 = arith.constant 0 : i32
    %dma_start3A_48 = arith.constant 0 : i32
    %dma_start3A_49 = tpu.memref_slice %arg2[%dma_start3A_47, %dma_start3A_48] : memref<1000000x64xf32, #tpu.memory_space<hbm>> -> memref<1000000x64xf32, #tpu.memory_space<hbm>>
    tpu.enqueue_indirect_dma source(%dma_start3A_49 : memref<1000000x64xf32, #tpu.memory_space<hbm>>) target(%dma_start3A_43 : memref<100x64xf32, #tpu.memory_space<vmem>>) offsets(%dma_start3A_46 : memref<100xi32, #tpu.memory_space<vmem>>) semaphore(%arg7 : memref<!tpu.dma_semaphore, #tpu.memory_space<semaphore_mem>>)
    %dma_start3A_50 = arith.constant 4 : i32
    %dma_start3A_51 = arith.constant 1 : i32
    %dma_start3A_52 = arith.constant 0 : i32
    %dma_start3A_53 = arith.constant 0 : i32
    %dma_start3A_54 = tpu.memref_slice %arg6[%dma_start3A_51, %dma_start3A_52, %dma_start3A_53] : memref<4x400x64xf32, #tpu.memory_space<vmem>> -> memref<1x100x64xf32, #tpu.memory_space<vmem>>
    %dma_start3A_55 = tpu.memref_squeeze %dma_start3A_54 : memref<1x100x64xf32, #tpu.memory_space<vmem>> -> memref<100x64xf32, #tpu.memory_space<vmem>>
    %dma_start3A_56 = arith.constant 0 : i32
    %dma_start3A_57 = tpu.memref_slice %arg5[%dma_start3A_50, %dma_start3A_56] : memref<256x100xi32, #tpu.memory_space<vmem>> -> memref<1x100xi32, #tpu.memory_space<vmem>>
    %dma_start3A_58 = tpu.memref_squeeze %dma_start3A_57 : memref<1x100xi32, #tpu.memory_space<vmem>> -> memref<100xi32, #tpu.memory_space<vmem>>
    %dma_start3A_59 = arith.constant 0 : i32
    %dma_start3A_60 = arith.constant 0 : i32
    %dma_start3A_61 = tpu.memref_slice %arg2[%dma_start3A_59, %dma_start3A_60] : memref<1000000x64xf32, #tpu.memory_space<hbm>> -> memref<1000000x64xf32, #tpu.memory_space<hbm>>
    tpu.enqueue_indirect_dma source(%dma_start3A_61 : memref<1000000x64xf32, #tpu.memory_space<hbm>>) target(%dma_start3A_55 : memref<100x64xf32, #tpu.memory_space<vmem>>) offsets(%dma_start3A_58 : memref<100xi32, #tpu.memory_space<vmem>>) semaphore(%arg8 : memref<!tpu.dma_semaphore, #tpu.memory_space<semaphore_mem>>)
    %dma_start3A_62 = arith.constant 5 : i32
    %dma_start3A_63 = arith.constant 1 : i32
    %dma_start3A_64 = arith.constant 100 : i32
    %dma_start3A_65 = arith.constant 0 : i32
    %dma_start3A_66 = tpu.memref_slice %arg6[%dma_start3A_63, %dma_start3A_64, %dma_start3A_65] : memref<4x400x64xf32, #tpu.memory_space<vmem>> -> memref<1x100x64xf32, #tpu.memory_space<vmem>>
    %dma_start3A_67 = tpu.memref_squeeze %dma_start3A_66 : memref<1x100x64xf32, #tpu.memory_space<vmem>> -> memref<100x64xf32, #tpu.memory_space<vmem>>
    %dma_start3A_68 = arith.constant 0 : i32
    %dma_start3A_69 = tpu.memref_slice %arg5[%dma_start3A_62, %dma_start3A_68] : memref<256x100xi32, #tpu.memory_space<vmem>> -> memref<1x100xi32, #tpu.memory_space<vmem>>
    %dma_start3A_70 = tpu.memref_squeeze %dma_start3A_69 : memref<1x100xi32, #tpu.memory_space<vmem>> -> memref<100xi32, #tpu.memory_space<vmem>>
    %dma_start3A_71 = arith.constant 0 : i32
    %dma_start3A_72 = arith.constant 0 : i32
    %dma_start3A_73 = tpu.memref_slice %arg2[%dma_start3A_71, %dma_start3A_72] : memref<1000000x64xf32, #tpu.memory_space<hbm>> -> memref<1000000x64xf32, #tpu.memory_space<hbm>>
    tpu.enqueue_indirect_dma source(%dma_start3A_73 : memref<1000000x64xf32, #tpu.memory_space<hbm>>) target(%dma_start3A_67 : memref<100x64xf32, #tpu.memory_space<vmem>>) offsets(%dma_start3A_70 : memref<100xi32, #tpu.memory_space<vmem>>) semaphore(%arg8 : memref<!tpu.dma_semaphore, #tpu.memory_space<semaphore_mem>>)
    %dma_start3A_74 = arith.constant 6 : i32
    %dma_start3A_75 = arith.constant 1 : i32
    %dma_start3A_76 = arith.constant 200 : i32
    %dma_start3A_77 = arith.constant 0 : i32
    %dma_start3A_78 = tpu.memref_slice %arg6[%dma_start3A_75, %dma_start3A_76, %dma_start3A_77] : memref<4x400x64xf32, #tpu.memory_space<vmem>> -> memref<1x100x64xf32, #tpu.memory_space<vmem>>
    %dma_start3A_79 = tpu.memref_squeeze %dma_start3A_78 : memref<1x100x64xf32, #tpu.memory_space<vmem>> -> memref<100x64xf32, #tpu.memory_space<vmem>>
    %dma_start3A_80 = arith.constant 0 : i32
    %dma_start3A_81 = tpu.memref_slice %arg5[%dma_start3A_74, %dma_start3A_80] : memref<256x100xi32, #tpu.memory_space<vmem>> -> memref<1x100xi32, #tpu.memory_space<vmem>>
    %dma_start3A_82 = tpu.memref_squeeze %dma_start3A_81 : memref<1x100xi32, #tpu.memory_space<vmem>> -> memref<100xi32, #tpu.memory_space<vmem>>
    %dma_start3A_83 = arith.constant 0 : i32
    %dma_start3A_84 = arith.constant 0 : i32
    %dma_start3A_85 = tpu.memref_slice %arg2[%dma_start3A_83, %dma_start3A_84] : memref<1000000x64xf32, #tpu.memory_space<hbm>> -> memref<1000000x64xf32, #tpu.memory_space<hbm>>
    tpu.enqueue_indirect_dma source(%dma_start3A_85 : memref<1000000x64xf32, #tpu.memory_space<hbm>>) target(%dma_start3A_79 : memref<100x64xf32, #tpu.memory_space<vmem>>) offsets(%dma_start3A_82 : memref<100xi32, #tpu.memory_space<vmem>>) semaphore(%arg8 : memref<!tpu.dma_semaphore, #tpu.memory_space<semaphore_mem>>)
    %dma_start3A_86 = arith.constant 7 : i32
    %dma_start3A_87 = arith.constant 1 : i32
    %dma_start3A_88 = arith.constant 300 : i32
    %dma_start3A_89 = arith.constant 0 : i32
    %dma_start3A_90 = tpu.memref_slice %arg6[%dma_start3A_87, %dma_start3A_88, %dma_start3A_89] : memref<4x400x64xf32, #tpu.memory_space<vmem>> -> memref<1x100x64xf32, #tpu.memory_space<vmem>>
    %dma_start3A_91 = tpu.memref_squeeze %dma_start3A_90 : memref<1x100x64xf32, #tpu.memory_space<vmem>> -> memref<100x64xf32, #tpu.memory_space<vmem>>
    %dma_start3A_92 = arith.constant 0 : i32
    %dma_start3A_93 = tpu.memref_slice %arg5[%dma_start3A_86, %dma_start3A_92] : memref<256x100xi32, #tpu.memory_space<vmem>> -> memref<1x100xi32, #tpu.memory_space<vmem>>
    %dma_start3A_94 = tpu.memref_squeeze %dma_start3A_93 : memref<1x100xi32, #tpu.memory_space<vmem>> -> memref<100xi32, #tpu.memory_space<vmem>>
    %dma_start3A_95 = arith.constant 0 : i32
    %dma_start3A_96 = arith.constant 0 : i32
    %dma_start3A_97 = tpu.memref_slice %arg2[%dma_start3A_95, %dma_start3A_96] : memref<1000000x64xf32, #tpu.memory_space<hbm>> -> memref<1000000x64xf32, #tpu.memory_space<hbm>>
    tpu.enqueue_indirect_dma source(%dma_start3A_97 : memref<1000000x64xf32, #tpu.memory_space<hbm>>) target(%dma_start3A_91 : memref<100x64xf32, #tpu.memory_space<vmem>>) offsets(%dma_start3A_94 : memref<100xi32, #tpu.memory_space<vmem>>) semaphore(%arg8 : memref<!tpu.dma_semaphore, #tpu.memory_space<semaphore_mem>>)
    %dma_start3A_98 = arith.constant 8 : i32
    %dma_start3A_99 = arith.constant 2 : i32
    %dma_start3A_100 = arith.constant 0 : i32
    %dma_start3A_101 = arith.constant 0 : i32
    %dma_start3A_102 = tpu.memref_slice %arg6[%dma_start3A_99, %dma_start3A_100, %dma_start3A_101] : memref<4x400x64xf32, #tpu.memory_space<vmem>> -> memref<1x100x64xf32, #tpu.memory_space<vmem>>
    %dma_start3A_103 = tpu.memref_squeeze %dma_start3A_102 : memref<1x100x64xf32, #tpu.memory_space<vmem>> -> memref<100x64xf32, #tpu.memory_space<vmem>>
    %dma_start3A_104 = arith.constant 0 : i32
    %dma_start3A_105 = tpu.memref_slice %arg5[%dma_start3A_98, %dma_start3A_104] : memref<256x100xi32, #tpu.memory_space<vmem>> -> memref<1x100xi32, #tpu.memory_space<vmem>>
    %dma_start3A_106 = tpu.memref_squeeze %dma_start3A_105 : memref<1x100xi32, #tpu.memory_space<vmem>> -> memref<100xi32, #tpu.memory_space<vmem>>
    %dma_start3A_107 = arith.constant 0 : i32
    %dma_start3A_108 = arith.constant 0 : i32
    %dma_start3A_109 = tpu.memref_slice %arg2[%dma_start3A_107, %dma_start3A_108] : memref<1000000x64xf32, #tpu.memory_space<hbm>> -> memref<1000000x64xf32, #tpu.memory_space<hbm>>
    tpu.enqueue_indirect_dma source(%dma_start3A_109 : memref<1000000x64xf32, #tpu.memory_space<hbm>>) target(%dma_start3A_103 : memref<100x64xf32, #tpu.memory_space<vmem>>) offsets(%dma_start3A_106 : memref<100xi32, #tpu.memory_space<vmem>>) semaphore(%arg9 : memref<!tpu.dma_semaphore, #tpu.memory_space<semaphore_mem>>)
    %dma_start3A_110 = arith.constant 9 : i32
    %dma_start3A_111 = arith.constant 2 : i32
    %dma_start3A_112 = arith.constant 100 : i32
    %dma_start3A_113 = arith.constant 0 : i32
    %dma_start3A_114 = tpu.memref_slice %arg6[%dma_start3A_111, %dma_start3A_112, %dma_start3A_113] : memref<4x400x64xf32, #tpu.memory_space<vmem>> -> memref<1x100x64xf32, #tpu.memory_space<vmem>>
    %dma_start3A_115 = tpu.memref_squeeze %dma_start3A_114 : memref<1x100x64xf32, #tpu.memory_space<vmem>> -> memref<100x64xf32, #tpu.memory_space<vmem>>
    %dma_start3A_116 = arith.constant 0 : i32
    %dma_start3A_117 = tpu.memref_slice %arg5[%dma_start3A_110, %dma_start3A_116] : memref<256x100xi32, #tpu.memory_space<vmem>> -> memref<1x100xi32, #tpu.memory_space<vmem>>
    %dma_start3A_118 = tpu.memref_squeeze %dma_start3A_117 : memref<1x100xi32, #tpu.memory_space<vmem>> -> memref<100xi32, #tpu.memory_space<vmem>>
    %dma_start3A_119 = arith.constant 0 : i32
    %dma_start3A_120 = arith.constant 0 : i32
    %dma_start3A_121 = tpu.memref_slice %arg2[%dma_start3A_119, %dma_start3A_120] : memref<1000000x64xf32, #tpu.memory_space<hbm>> -> memref<1000000x64xf32, #tpu.memory_space<hbm>>
    tpu.enqueue_indirect_dma source(%dma_start3A_121 : memref<1000000x64xf32, #tpu.memory_space<hbm>>) target(%dma_start3A_115 : memref<100x64xf32, #tpu.memory_space<vmem>>) offsets(%dma_start3A_118 : memref<100xi32, #tpu.memory_space<vmem>>) semaphore(%arg9 : memref<!tpu.dma_semaphore, #tpu.memory_space<semaphore_mem>>)
    %dma_start3A_122 = arith.constant 10 : i32
    %dma_start3A_123 = arith.constant 2 : i32
    %dma_start3A_124 = arith.constant 200 : i32
    %dma_start3A_125 = arith.constant 0 : i32
    %dma_start3A_126 = tpu.memref_slice %arg6[%dma_start3A_123, %dma_start3A_124, %dma_start3A_125] : memref<4x400x64xf32, #tpu.memory_space<vmem>> -> memref<1x100x64xf32, #tpu.memory_space<vmem>>
    %dma_start3A_127 = tpu.memref_squeeze %dma_start3A_126 : memref<1x100x64xf32, #tpu.memory_space<vmem>> -> memref<100x64xf32, #tpu.memory_space<vmem>>
    %dma_start3A_128 = arith.constant 0 : i32
    %dma_start3A_129 = tpu.memref_slice %arg5[%dma_start3A_122, %dma_start3A_128] : memref<256x100xi32, #tpu.memory_space<vmem>> -> memref<1x100xi32, #tpu.memory_space<vmem>>
    %dma_start3A_130 = tpu.memref_squeeze %dma_start3A_129 : memref<1x100xi32, #tpu.memory_space<vmem>> -> memref<100xi32, #tpu.memory_space<vmem>>
    %dma_start3A_131 = arith.constant 0 : i32
    %dma_start3A_132 = arith.constant 0 : i32
    %dma_start3A_133 = tpu.memref_slice %arg2[%dma_start3A_131, %dma_start3A_132] : memref<1000000x64xf32, #tpu.memory_space<hbm>> -> memref<1000000x64xf32, #tpu.memory_space<hbm>>
    tpu.enqueue_indirect_dma source(%dma_start3A_133 : memref<1000000x64xf32, #tpu.memory_space<hbm>>) target(%dma_start3A_127 : memref<100x64xf32, #tpu.memory_space<vmem>>) offsets(%dma_start3A_130 : memref<100xi32, #tpu.memory_space<vmem>>) semaphore(%arg9 : memref<!tpu.dma_semaphore, #tpu.memory_space<semaphore_mem>>)
    %dma_start3A_134 = arith.constant 11 : i32
    %dma_start3A_135 = arith.constant 2 : i32
    %dma_start3A_136 = arith.constant 300 : i32
    %dma_start3A_137 = arith.constant 0 : i32
    %dma_start3A_138 = tpu.memref_slice %arg6[%dma_start3A_135, %dma_start3A_136, %dma_start3A_137] : memref<4x400x64xf32, #tpu.memory_space<vmem>> -> memref<1x100x64xf32, #tpu.memory_space<vmem>>
    %dma_start3A_139 = tpu.memref_squeeze %dma_start3A_138 : memref<1x100x64xf32, #tpu.memory_space<vmem>> -> memref<100x64xf32, #tpu.memory_space<vmem>>
    %dma_start3A_140 = arith.constant 0 : i32
    %dma_start3A_141 = tpu.memref_slice %arg5[%dma_start3A_134, %dma_start3A_140] : memref<256x100xi32, #tpu.memory_space<vmem>> -> memref<1x100xi32, #tpu.memory_space<vmem>>
    %dma_start3A_142 = tpu.memref_squeeze %dma_start3A_141 : memref<1x100xi32, #tpu.memory_space<vmem>> -> memref<100xi32, #tpu.memory_space<vmem>>
    %dma_start3A_143 = arith.constant 0 : i32
    %dma_start3A_144 = arith.constant 0 : i32
    %dma_start3A_145 = tpu.memref_slice %arg2[%dma_start3A_143, %dma_start3A_144] : memref<1000000x64xf32, #tpu.memory_space<hbm>> -> memref<1000000x64xf32, #tpu.memory_space<hbm>>
    tpu.enqueue_indirect_dma source(%dma_start3A_145 : memref<1000000x64xf32, #tpu.memory_space<hbm>>) target(%dma_start3A_139 : memref<100x64xf32, #tpu.memory_space<vmem>>) offsets(%dma_start3A_142 : memref<100xi32, #tpu.memory_space<vmem>>) semaphore(%arg9 : memref<!tpu.dma_semaphore, #tpu.memory_space<semaphore_mem>>)
    %scan3A = arith.constant 0 : i32
    %scan3A_146 = arith.constant 16 : i32
    %scan3A_147 = arith.addi %scan3A, %scan3A_146 : i32
    %scan3A_148 = arith.constant 1 : i32
    scf.for %scan3A_201 = %scan3A to %scan3A_147 step %scan3A_148  : i32 {
      %mul3A_202 = arith.constant 4 : i32
      %mul3A_203 = arith.muli %scan3A_201, %mul3A_202 : i32
      %add3A_204 = arith.constant 0 : i32
      %add3A_205 = arith.addi %add3A_204, %mul3A_203 : i32
      %add3A_206 = arith.constant 0 : i32
      %add3A_207 = arith.addi %add3A_205, %add3A_206 : i32
      %add3A_208 = arith.constant 4 : i32
      %add3A_209 = arith.addi %add3A_207, %add3A_208 : i32
      %sub3A = arith.constant 1 : i32
      %sub3A_210 = arith.subi %add3A_209, %sub3A : i32
      %lt3A = arith.constant 64 : i32
      %lt3A_211 = arith.cmpi slt, %sub3A_210, %lt3A : i32
      %ge3A = arith.constant 4 : i32
      %ge3A_212 = arith.cmpi sge, %sub3A_210, %ge3A : i32
      %and3A = arith.andi %lt3A_211, %ge3A_212 : i1
      %convert_element_type3A = arith.extui %and3A : i1 to i32
      %cond3A = arith.constant 0 : i32
      %cond3A_213 = arith.cmpi ne, %convert_element_type3A, %cond3A : i32
      scf.if %cond3A_213 {
        %dma_wait3A_392 = arith.constant 3 : i32
        %dma_wait3A_393 = arith.constant 0 : i32
        %dma_wait3A_394 = arith.constant 0 : i32
        %dma_wait3A_395 = tpu.memref_slice %arg6[%dma_wait3A_392, %dma_wait3A_393, %dma_wait3A_394] : memref<4x400x64xf32, #tpu.memory_space<vmem>> -> memref<1x400x64xf32, #tpu.memory_space<vmem>>
        %dma_wait3A_396 = tpu.memref_squeeze %dma_wait3A_395 : memref<1x400x64xf32, #tpu.memory_space<vmem>> -> memref<400x64xf32, #tpu.memory_space<vmem>>
        %dma_wait3A_397 = arith.constant 0 : i32
        %dma_wait3A_398 = tpu.memref_slice %arg4[%mul3A_2, %dma_wait3A_397] : memref<819200x64xf32, #tpu.memory_space<hbm>> -> memref<400x64xf32, #tpu.memory_space<hbm>>
        %dma_wait3A_399 = arith.constant 0 : i32
        %dma_wait3A_400 = arith.constant 0 : i32
        %dma_wait3A_401 = tpu.memref_slice %arg6[%dma_wait3A_392, %dma_wait3A_399, %dma_wait3A_400] : memref<4x400x64xf32, #tpu.memory_space<vmem>> -> memref<1x400x64xf32, #tpu.memory_space<vmem>>
        %dma_wait3A_402 = tpu.memref_squeeze %dma_wait3A_401 : memref<1x400x64xf32, #tpu.memory_space<vmem>> -> memref<400x64xf32, #tpu.memory_space<vmem>>
        %dma_wait3A_403 = arith.constant 0 : i32
        %dma_wait3A_404 = tpu.memref_slice %arg4[%mul3A_2, %dma_wait3A_403] : memref<819200x64xf32, #tpu.memory_space<hbm>> -> memref<400x64xf32, #tpu.memory_space<hbm>>
        tpu.wait_dma2 semaphore(%arg14 : memref<!tpu.dma_semaphore, #tpu.memory_space<semaphore_mem>>) src(%dma_wait3A_404 : memref<400x64xf32, #tpu.memory_space<hbm>>) dst(%dma_wait3A_402 : memref<400x64xf32, #tpu.memory_space<vmem>>)
      } else {
      }
      %lt3A_214 = arith.constant 64 : i32
      %lt3A_215 = arith.cmpi slt, %sub3A_210, %lt3A_214 : i32
      %convert_element_type3A_216 = arith.extui %lt3A_215 : i1 to i32
      %cond3A_217 = arith.constant 0 : i32
      %cond3A_218 = arith.cmpi ne, %convert_element_type3A_216, %cond3A_217 : i32
      scf.if %cond3A_218 {
        %mul3A_392 = arith.constant 4 : i32
        %mul3A_393 = arith.muli %sub3A_210, %mul3A_392 : i32
        %add3A_394 = arith.constant 0 : i32
        %add3A_395 = arith.addi %mul3A_393, %add3A_394 : i32
        %dma_start3A_396 = arith.constant 3 : i32
        %dma_start3A_397 = arith.constant 0 : i32
        %dma_start3A_398 = arith.constant 0 : i32
        %dma_start3A_399 = tpu.memref_slice %arg6[%dma_start3A_396, %dma_start3A_397, %dma_start3A_398] : memref<4x400x64xf32, #tpu.memory_space<vmem>> -> memref<1x100x64xf32, #tpu.memory_space<vmem>>
        %dma_start3A_400 = tpu.memref_squeeze %dma_start3A_399 : memref<1x100x64xf32, #tpu.memory_space<vmem>> -> memref<100x64xf32, #tpu.memory_space<vmem>>
        %dma_start3A_401 = arith.constant 0 : i32
        %dma_start3A_402 = tpu.memref_slice %arg5[%add3A_395, %dma_start3A_401] : memref<256x100xi32, #tpu.memory_space<vmem>> -> memref<1x100xi32, #tpu.memory_space<vmem>>
        %dma_start3A_403 = tpu.memref_squeeze %dma_start3A_402 : memref<1x100xi32, #tpu.memory_space<vmem>> -> memref<100xi32, #tpu.memory_space<vmem>>
        %dma_start3A_404 = arith.constant 0 : i32
        %dma_start3A_405 = arith.constant 0 : i32
        %dma_start3A_406 = tpu.memref_slice %arg2[%dma_start3A_404, %dma_start3A_405] : memref<1000000x64xf32, #tpu.memory_space<hbm>> -> memref<1000000x64xf32, #tpu.memory_space<hbm>>
        tpu.enqueue_indirect_dma source(%dma_start3A_406 : memref<1000000x64xf32, #tpu.memory_space<hbm>>) target(%dma_start3A_400 : memref<100x64xf32, #tpu.memory_space<vmem>>) offsets(%dma_start3A_403 : memref<100xi32, #tpu.memory_space<vmem>>) semaphore(%arg10 : memref<!tpu.dma_semaphore, #tpu.memory_space<semaphore_mem>>)
        %mul3A_407 = arith.constant 4 : i32
        %mul3A_408 = arith.muli %sub3A_210, %mul3A_407 : i32
        %add3A_409 = arith.constant 1 : i32
        %add3A_410 = arith.addi %mul3A_408, %add3A_409 : i32
        %dma_start3A_411 = arith.constant 3 : i32
        %dma_start3A_412 = arith.constant 100 : i32
        %dma_start3A_413 = arith.constant 0 : i32
        %dma_start3A_414 = tpu.memref_slice %arg6[%dma_start3A_411, %dma_start3A_412, %dma_start3A_413] : memref<4x400x64xf32, #tpu.memory_space<vmem>> -> memref<1x100x64xf32, #tpu.memory_space<vmem>>
        %dma_start3A_415 = tpu.memref_squeeze %dma_start3A_414 : memref<1x100x64xf32, #tpu.memory_space<vmem>> -> memref<100x64xf32, #tpu.memory_space<vmem>>
        %dma_start3A_416 = arith.constant 0 : i32
        %dma_start3A_417 = tpu.memref_slice %arg5[%add3A_410, %dma_start3A_416] : memref<256x100xi32, #tpu.memory_space<vmem>> -> memref<1x100xi32, #tpu.memory_space<vmem>>
        %dma_start3A_418 = tpu.memref_squeeze %dma_start3A_417 : memref<1x100xi32, #tpu.memory_space<vmem>> -> memref<100xi32, #tpu.memory_space<vmem>>
        %dma_start3A_419 = arith.constant 0 : i32
        %dma_start3A_420 = arith.constant 0 : i32
        %dma_start3A_421 = tpu.memref_slice %arg2[%dma_start3A_419, %dma_start3A_420] : memref<1000000x64xf32, #tpu.memory_space<hbm>> -> memref<1000000x64xf32, #tpu.memory_space<hbm>>
        tpu.enqueue_indirect_dma source(%dma_start3A_421 : memref<1000000x64xf32, #tpu.memory_space<hbm>>) target(%dma_start3A_415 : memref<100x64xf32, #tpu.memory_space<vmem>>) offsets(%dma_start3A_418 : memref<100xi32, #tpu.memory_space<vmem>>) semaphore(%arg10 : memref<!tpu.dma_semaphore, #tpu.memory_space<semaphore_mem>>)
        %mul3A_422 = arith.constant 4 : i32
        %mul3A_423 = arith.muli %sub3A_210, %mul3A_422 : i32
        %add3A_424 = arith.constant 2 : i32
        %add3A_425 = arith.addi %mul3A_423, %add3A_424 : i32
        %dma_start3A_426 = arith.constant 3 : i32
        %dma_start3A_427 = arith.constant 200 : i32
        %dma_start3A_428 = arith.constant 0 : i32
        %dma_start3A_429 = tpu.memref_slice %arg6[%dma_start3A_426, %dma_start3A_427, %dma_start3A_428] : memref<4x400x64xf32, #tpu.memory_space<vmem>> -> memref<1x100x64xf32, #tpu.memory_space<vmem>>
        %dma_start3A_430 = tpu.memref_squeeze %dma_start3A_429 : memref<1x100x64xf32, #tpu.memory_space<vmem>> -> memref<100x64xf32, #tpu.memory_space<vmem>>
        %dma_start3A_431 = arith.constant 0 : i32
        %dma_start3A_432 = tpu.memref_slice %arg5[%add3A_425, %dma_start3A_431] : memref<256x100xi32, #tpu.memory_space<vmem>> -> memref<1x100xi32, #tpu.memory_space<vmem>>
        %dma_start3A_433 = tpu.memref_squeeze %dma_start3A_432 : memref<1x100xi32, #tpu.memory_space<vmem>> -> memref<100xi32, #tpu.memory_space<vmem>>
        %dma_start3A_434 = arith.constant 0 : i32
        %dma_start3A_435 = arith.constant 0 : i32
        %dma_start3A_436 = tpu.memref_slice %arg2[%dma_start3A_434, %dma_start3A_435] : memref<1000000x64xf32, #tpu.memory_space<hbm>> -> memref<1000000x64xf32, #tpu.memory_space<hbm>>
        tpu.enqueue_indirect_dma source(%dma_start3A_436 : memref<1000000x64xf32, #tpu.memory_space<hbm>>) target(%dma_start3A_430 : memref<100x64xf32, #tpu.memory_space<vmem>>) offsets(%dma_start3A_433 : memref<100xi32, #tpu.memory_space<vmem>>) semaphore(%arg10 : memref<!tpu.dma_semaphore, #tpu.memory_space<semaphore_mem>>)
        %mul3A_437 = arith.constant 4 : i32
        %mul3A_438 = arith.muli %sub3A_210, %mul3A_437 : i32
        %add3A_439 = arith.constant 3 : i32
        %add3A_440 = arith.addi %mul3A_438, %add3A_439 : i32
        %dma_start3A_441 = arith.constant 3 : i32
        %dma_start3A_442 = arith.constant 300 : i32
        %dma_start3A_443 = arith.constant 0 : i32
        %dma_start3A_444 = tpu.memref_slice %arg6[%dma_start3A_441, %dma_start3A_442, %dma_start3A_443] : memref<4x400x64xf32, #tpu.memory_space<vmem>> -> memref<1x100x64xf32, #tpu.memory_space<vmem>>
        %dma_start3A_445 = tpu.memref_squeeze %dma_start3A_444 : memref<1x100x64xf32, #tpu.memory_space<vmem>> -> memref<100x64xf32, #tpu.memory_space<vmem>>
        %dma_start3A_446 = arith.constant 0 : i32
        %dma_start3A_447 = tpu.memref_slice %arg5[%add3A_440, %dma_start3A_446] : memref<256x100xi32, #tpu.memory_space<vmem>> -> memref<1x100xi32, #tpu.memory_space<vmem>>
        %dma_start3A_448 = tpu.memref_squeeze %dma_start3A_447 : memref<1x100xi32, #tpu.memory_space<vmem>> -> memref<100xi32, #tpu.memory_space<vmem>>
        %dma_start3A_449 = arith.constant 0 : i32
        %dma_start3A_450 = arith.constant 0 : i32
        %dma_start3A_451 = tpu.memref_slice %arg2[%dma_start3A_449, %dma_start3A_450] : memref<1000000x64xf32, #tpu.memory_space<hbm>> -> memref<1000000x64xf32, #tpu.memory_space<hbm>>
        tpu.enqueue_indirect_dma source(%dma_start3A_451 : memref<1000000x64xf32, #tpu.memory_space<hbm>>) target(%dma_start3A_445 : memref<100x64xf32, #tpu.memory_space<vmem>>) offsets(%dma_start3A_448 : memref<100xi32, #tpu.memory_space<vmem>>) semaphore(%arg10 : memref<!tpu.dma_semaphore, #tpu.memory_space<semaphore_mem>>)
      } else {
      }
      %dma_wait3A_219 = arith.constant 0 : i32
      %dma_wait3A_220 = arith.constant 0 : i32
      %dma_wait3A_221 = arith.constant 0 : i32
      %dma_wait3A_222 = tpu.memref_slice %arg6[%dma_wait3A_219, %dma_wait3A_220, %dma_wait3A_221] : memref<4x400x64xf32, #tpu.memory_space<vmem>> -> memref<1x400x64xf32, #tpu.memory_space<vmem>>
      %dma_wait3A_223 = tpu.memref_squeeze %dma_wait3A_222 : memref<1x400x64xf32, #tpu.memory_space<vmem>> -> memref<400x64xf32, #tpu.memory_space<vmem>>
      %dma_wait3A_224 = arith.constant 0 : i32
      %dma_wait3A_225 = tpu.memref_slice %arg4[%mul3A_2, %dma_wait3A_224] : memref<819200x64xf32, #tpu.memory_space<hbm>> -> memref<400x64xf32, #tpu.memory_space<hbm>>
      %dma_wait3A_226 = arith.constant 0 : i32
      %dma_wait3A_227 = arith.constant 0 : i32
      %dma_wait3A_228 = tpu.memref_slice %arg6[%dma_wait3A_219, %dma_wait3A_226, %dma_wait3A_227] : memref<4x400x64xf32, #tpu.memory_space<vmem>> -> memref<1x400x64xf32, #tpu.memory_space<vmem>>
      %dma_wait3A_229 = tpu.memref_squeeze %dma_wait3A_228 : memref<1x400x64xf32, #tpu.memory_space<vmem>> -> memref<400x64xf32, #tpu.memory_space<vmem>>
      %dma_wait3A_230 = arith.constant 0 : i32
      %dma_wait3A_231 = tpu.memref_slice %arg4[%mul3A_2, %dma_wait3A_230] : memref<819200x64xf32, #tpu.memory_space<hbm>> -> memref<400x64xf32, #tpu.memory_space<hbm>>
      tpu.wait_dma2 semaphore(%arg7 : memref<!tpu.dma_semaphore, #tpu.memory_space<semaphore_mem>>) src(%dma_wait3A_231 : memref<400x64xf32, #tpu.memory_space<hbm>>) dst(%dma_wait3A_229 : memref<400x64xf32, #tpu.memory_space<vmem>>)
      %mul3A_232 = arith.constant 400 : i32
      %mul3A_233 = arith.muli %add3A_207, %mul3A_232 : i32
      %add3A_234 = arith.addi %mul3A_2, %mul3A_233 : i32
      %dma_start3A_235 = arith.constant 0 : i32
      %dma_start3A_236 = arith.constant 0 : i32
      %dma_start3A_237 = arith.constant 0 : i32
      %dma_start3A_238 = tpu.memref_slice %arg6[%dma_start3A_235, %dma_start3A_236, %dma_start3A_237] : memref<4x400x64xf32, #tpu.memory_space<vmem>> -> memref<1x400x64xf32, #tpu.memory_space<vmem>>
      %dma_start3A_239 = tpu.memref_squeeze %dma_start3A_238 : memref<1x400x64xf32, #tpu.memory_space<vmem>> -> memref<400x64xf32, #tpu.memory_space<vmem>>
      %dma_start3A_240 = arith.constant 0 : i32
      %dma_start3A_241 = tpu.memref_slice %arg4[%add3A_234, %dma_start3A_240] : memref<819200x64xf32, #tpu.memory_space<hbm>> -> memref<400x64xf32, #tpu.memory_space<hbm>>
      %dma_start3A_242 = arith.constant 0 : i32
      %dma_start3A_243 = tpu.memref_slice %arg4[%add3A_234, %dma_start3A_242] : memref<819200x64xf32, #tpu.memory_space<hbm>> -> memref<400x64xf32, #tpu.memory_space<hbm>>
      %dma_start3A_244 = arith.constant 0 : i32
      %dma_start3A_245 = arith.constant 0 : i32
      %dma_start3A_246 = tpu.memref_slice %arg6[%dma_start3A_235, %dma_start3A_244, %dma_start3A_245] : memref<4x400x64xf32, #tpu.memory_space<vmem>> -> memref<1x400x64xf32, #tpu.memory_space<vmem>>
      %dma_start3A_247 = tpu.memref_squeeze %dma_start3A_246 : memref<1x400x64xf32, #tpu.memory_space<vmem>> -> memref<400x64xf32, #tpu.memory_space<vmem>>
      tpu.enqueue_dma source(%dma_start3A_247 : memref<400x64xf32, #tpu.memory_space<vmem>>) target(%dma_start3A_243 : memref<400x64xf32, #tpu.memory_space<hbm>>) target_semaphore(%arg11 : memref<!tpu.dma_semaphore, #tpu.memory_space<semaphore_mem>>)
      %add3A_248 = arith.constant 1 : i32
      %add3A_249 = arith.addi %add3A_205, %add3A_248 : i32
      %add3A_250 = arith.constant 4 : i32
      %add3A_251 = arith.addi %add3A_249, %add3A_250 : i32
      %sub3A_252 = arith.constant 1 : i32
      %sub3A_253 = arith.subi %add3A_251, %sub3A_252 : i32
      %lt3A_254 = arith.constant 64 : i32
      %lt3A_255 = arith.cmpi slt, %sub3A_253, %lt3A_254 : i32
      %ge3A_256 = arith.constant 4 : i32
      %ge3A_257 = arith.cmpi sge, %sub3A_253, %ge3A_256 : i32
      %and3A_258 = arith.andi %lt3A_255, %ge3A_257 : i1
      %convert_element_type3A_259 = arith.extui %and3A_258 : i1 to i32
      %cond3A_260 = arith.constant 0 : i32
      %cond3A_261 = arith.cmpi ne, %convert_element_type3A_259, %cond3A_260 : i32
      scf.if %cond3A_261 {
        %dma_wait3A_392 = arith.constant 0 : i32
        %dma_wait3A_393 = arith.constant 0 : i32
        %dma_wait3A_394 = arith.constant 0 : i32
        %dma_wait3A_395 = tpu.memref_slice %arg6[%dma_wait3A_392, %dma_wait3A_393, %dma_wait3A_394] : memref<4x400x64xf32, #tpu.memory_space<vmem>> -> memref<1x400x64xf32, #tpu.memory_space<vmem>>
        %dma_wait3A_396 = tpu.memref_squeeze %dma_wait3A_395 : memref<1x400x64xf32, #tpu.memory_space<vmem>> -> memref<400x64xf32, #tpu.memory_space<vmem>>
        %dma_wait3A_397 = arith.constant 0 : i32
        %dma_wait3A_398 = tpu.memref_slice %arg4[%mul3A_2, %dma_wait3A_397] : memref<819200x64xf32, #tpu.memory_space<hbm>> -> memref<400x64xf32, #tpu.memory_space<hbm>>
        %dma_wait3A_399 = arith.constant 0 : i32
        %dma_wait3A_400 = arith.constant 0 : i32
        %dma_wait3A_401 = tpu.memref_slice %arg6[%dma_wait3A_392, %dma_wait3A_399, %dma_wait3A_400] : memref<4x400x64xf32, #tpu.memory_space<vmem>> -> memref<1x400x64xf32, #tpu.memory_space<vmem>>
        %dma_wait3A_402 = tpu.memref_squeeze %dma_wait3A_401 : memref<1x400x64xf32, #tpu.memory_space<vmem>> -> memref<400x64xf32, #tpu.memory_space<vmem>>
        %dma_wait3A_403 = arith.constant 0 : i32
        %dma_wait3A_404 = tpu.memref_slice %arg4[%mul3A_2, %dma_wait3A_403] : memref<819200x64xf32, #tpu.memory_space<hbm>> -> memref<400x64xf32, #tpu.memory_space<hbm>>
        tpu.wait_dma2 semaphore(%arg11 : memref<!tpu.dma_semaphore, #tpu.memory_space<semaphore_mem>>) src(%dma_wait3A_404 : memref<400x64xf32, #tpu.memory_space<hbm>>) dst(%dma_wait3A_402 : memref<400x64xf32, #tpu.memory_space<vmem>>)
      } else {
      }
      %lt3A_262 = arith.constant 64 : i32
      %lt3A_263 = arith.cmpi slt, %sub3A_253, %lt3A_262 : i32
      %convert_element_type3A_264 = arith.extui %lt3A_263 : i1 to i32
      %cond3A_265 = arith.constant 0 : i32
      %cond3A_266 = arith.cmpi ne, %convert_element_type3A_264, %cond3A_265 : i32
      scf.if %cond3A_266 {
        %mul3A_392 = arith.constant 4 : i32
        %mul3A_393 = arith.muli %sub3A_253, %mul3A_392 : i32
        %add3A_394 = arith.constant 0 : i32
        %add3A_395 = arith.addi %mul3A_393, %add3A_394 : i32
        %dma_start3A_396 = arith.constant 0 : i32
        %dma_start3A_397 = arith.constant 0 : i32
        %dma_start3A_398 = arith.constant 0 : i32
        %dma_start3A_399 = tpu.memref_slice %arg6[%dma_start3A_396, %dma_start3A_397, %dma_start3A_398] : memref<4x400x64xf32, #tpu.memory_space<vmem>> -> memref<1x100x64xf32, #tpu.memory_space<vmem>>
        %dma_start3A_400 = tpu.memref_squeeze %dma_start3A_399 : memref<1x100x64xf32, #tpu.memory_space<vmem>> -> memref<100x64xf32, #tpu.memory_space<vmem>>
        %dma_start3A_401 = arith.constant 0 : i32
        %dma_start3A_402 = tpu.memref_slice %arg5[%add3A_395, %dma_start3A_401] : memref<256x100xi32, #tpu.memory_space<vmem>> -> memref<1x100xi32, #tpu.memory_space<vmem>>
        %dma_start3A_403 = tpu.memref_squeeze %dma_start3A_402 : memref<1x100xi32, #tpu.memory_space<vmem>> -> memref<100xi32, #tpu.memory_space<vmem>>
        %dma_start3A_404 = arith.constant 0 : i32
        %dma_start3A_405 = arith.constant 0 : i32
        %dma_start3A_406 = tpu.memref_slice %arg2[%dma_start3A_404, %dma_start3A_405] : memref<1000000x64xf32, #tpu.memory_space<hbm>> -> memref<1000000x64xf32, #tpu.memory_space<hbm>>
        tpu.enqueue_indirect_dma source(%dma_start3A_406 : memref<1000000x64xf32, #tpu.memory_space<hbm>>) target(%dma_start3A_400 : memref<100x64xf32, #tpu.memory_space<vmem>>) offsets(%dma_start3A_403 : memref<100xi32, #tpu.memory_space<vmem>>) semaphore(%arg7 : memref<!tpu.dma_semaphore, #tpu.memory_space<semaphore_mem>>)
        %mul3A_407 = arith.constant 4 : i32
        %mul3A_408 = arith.muli %sub3A_253, %mul3A_407 : i32
        %add3A_409 = arith.constant 1 : i32
        %add3A_410 = arith.addi %mul3A_408, %add3A_409 : i32
        %dma_start3A_411 = arith.constant 0 : i32
        %dma_start3A_412 = arith.constant 100 : i32
        %dma_start3A_413 = arith.constant 0 : i32
        %dma_start3A_414 = tpu.memref_slice %arg6[%dma_start3A_411, %dma_start3A_412, %dma_start3A_413] : memref<4x400x64xf32, #tpu.memory_space<vmem>> -> memref<1x100x64xf32, #tpu.memory_space<vmem>>
        %dma_start3A_415 = tpu.memref_squeeze %dma_start3A_414 : memref<1x100x64xf32, #tpu.memory_space<vmem>> -> memref<100x64xf32, #tpu.memory_space<vmem>>
        %dma_start3A_416 = arith.constant 0 : i32
        %dma_start3A_417 = tpu.memref_slice %arg5[%add3A_410, %dma_start3A_416] : memref<256x100xi32, #tpu.memory_space<vmem>> -> memref<1x100xi32, #tpu.memory_space<vmem>>
        %dma_start3A_418 = tpu.memref_squeeze %dma_start3A_417 : memref<1x100xi32, #tpu.memory_space<vmem>> -> memref<100xi32, #tpu.memory_space<vmem>>
        %dma_start3A_419 = arith.constant 0 : i32
        %dma_start3A_420 = arith.constant 0 : i32
        %dma_start3A_421 = tpu.memref_slice %arg2[%dma_start3A_419, %dma_start3A_420] : memref<1000000x64xf32, #tpu.memory_space<hbm>> -> memref<1000000x64xf32, #tpu.memory_space<hbm>>
        tpu.enqueue_indirect_dma source(%dma_start3A_421 : memref<1000000x64xf32, #tpu.memory_space<hbm>>) target(%dma_start3A_415 : memref<100x64xf32, #tpu.memory_space<vmem>>) offsets(%dma_start3A_418 : memref<100xi32, #tpu.memory_space<vmem>>) semaphore(%arg7 : memref<!tpu.dma_semaphore, #tpu.memory_space<semaphore_mem>>)
        %mul3A_422 = arith.constant 4 : i32
        %mul3A_423 = arith.muli %sub3A_253, %mul3A_422 : i32
        %add3A_424 = arith.constant 2 : i32
        %add3A_425 = arith.addi %mul3A_423, %add3A_424 : i32
        %dma_start3A_426 = arith.constant 0 : i32
        %dma_start3A_427 = arith.constant 200 : i32
        %dma_start3A_428 = arith.constant 0 : i32
        %dma_start3A_429 = tpu.memref_slice %arg6[%dma_start3A_426, %dma_start3A_427, %dma_start3A_428] : memref<4x400x64xf32, #tpu.memory_space<vmem>> -> memref<1x100x64xf32, #tpu.memory_space<vmem>>
        %dma_start3A_430 = tpu.memref_squeeze %dma_start3A_429 : memref<1x100x64xf32, #tpu.memory_space<vmem>> -> memref<100x64xf32, #tpu.memory_space<vmem>>
        %dma_start3A_431 = arith.constant 0 : i32
        %dma_start3A_432 = tpu.memref_slice %arg5[%add3A_425, %dma_start3A_431] : memref<256x100xi32, #tpu.memory_space<vmem>> -> memref<1x100xi32, #tpu.memory_space<vmem>>
        %dma_start3A_433 = tpu.memref_squeeze %dma_start3A_432 : memref<1x100xi32, #tpu.memory_space<vmem>> -> memref<100xi32, #tpu.memory_space<vmem>>
        %dma_start3A_434 = arith.constant 0 : i32
        %dma_start3A_435 = arith.constant 0 : i32
        %dma_start3A_436 = tpu.memref_slice %arg2[%dma_start3A_434, %dma_start3A_435] : memref<1000000x64xf32, #tpu.memory_space<hbm>> -> memref<1000000x64xf32, #tpu.memory_space<hbm>>
        tpu.enqueue_indirect_dma source(%dma_start3A_436 : memref<1000000x64xf32, #tpu.memory_space<hbm>>) target(%dma_start3A_430 : memref<100x64xf32, #tpu.memory_space<vmem>>) offsets(%dma_start3A_433 : memref<100xi32, #tpu.memory_space<vmem>>) semaphore(%arg7 : memref<!tpu.dma_semaphore, #tpu.memory_space<semaphore_mem>>)
        %mul3A_437 = arith.constant 4 : i32
        %mul3A_438 = arith.muli %sub3A_253, %mul3A_437 : i32
        %add3A_439 = arith.constant 3 : i32
        %add3A_440 = arith.addi %mul3A_438, %add3A_439 : i32
        %dma_start3A_441 = arith.constant 0 : i32
        %dma_start3A_442 = arith.constant 300 : i32
        %dma_start3A_443 = arith.constant 0 : i32
        %dma_start3A_444 = tpu.memref_slice %arg6[%dma_start3A_441, %dma_start3A_442, %dma_start3A_443] : memref<4x400x64xf32, #tpu.memory_space<vmem>> -> memref<1x100x64xf32, #tpu.memory_space<vmem>>
        %dma_start3A_445 = tpu.memref_squeeze %dma_start3A_444 : memref<1x100x64xf32, #tpu.memory_space<vmem>> -> memref<100x64xf32, #tpu.memory_space<vmem>>
        %dma_start3A_446 = arith.constant 0 : i32
        %dma_start3A_447 = tpu.memref_slice %arg5[%add3A_440, %dma_start3A_446] : memref<256x100xi32, #tpu.memory_space<vmem>> -> memref<1x100xi32, #tpu.memory_space<vmem>>
        %dma_start3A_448 = tpu.memref_squeeze %dma_start3A_447 : memref<1x100xi32, #tpu.memory_space<vmem>> -> memref<100xi32, #tpu.memory_space<vmem>>
        %dma_start3A_449 = arith.constant 0 : i32
        %dma_start3A_450 = arith.constant 0 : i32
        %dma_start3A_451 = tpu.memref_slice %arg2[%dma_start3A_449, %dma_start3A_450] : memref<1000000x64xf32, #tpu.memory_space<hbm>> -> memref<1000000x64xf32, #tpu.memory_space<hbm>>
        tpu.enqueue_indirect_dma source(%dma_start3A_451 : memref<1000000x64xf32, #tpu.memory_space<hbm>>) target(%dma_start3A_445 : memref<100x64xf32, #tpu.memory_space<vmem>>) offsets(%dma_start3A_448 : memref<100xi32, #tpu.memory_space<vmem>>) semaphore(%arg7 : memref<!tpu.dma_semaphore, #tpu.memory_space<semaphore_mem>>)
      } else {
      }
      %dma_wait3A_267 = arith.constant 1 : i32
      %dma_wait3A_268 = arith.constant 0 : i32
      %dma_wait3A_269 = arith.constant 0 : i32
      %dma_wait3A_270 = tpu.memref_slice %arg6[%dma_wait3A_267, %dma_wait3A_268, %dma_wait3A_269] : memref<4x400x64xf32, #tpu.memory_space<vmem>> -> memref<1x400x64xf32, #tpu.memory_space<vmem>>
      %dma_wait3A_271 = tpu.memref_squeeze %dma_wait3A_270 : memref<1x400x64xf32, #tpu.memory_space<vmem>> -> memref<400x64xf32, #tpu.memory_space<vmem>>
      %dma_wait3A_272 = arith.constant 0 : i32
      %dma_wait3A_273 = tpu.memref_slice %arg4[%mul3A_2, %dma_wait3A_272] : memref<819200x64xf32, #tpu.memory_space<hbm>> -> memref<400x64xf32, #tpu.memory_space<hbm>>
      %dma_wait3A_274 = arith.constant 0 : i32
      %dma_wait3A_275 = arith.constant 0 : i32
      %dma_wait3A_276 = tpu.memref_slice %arg6[%dma_wait3A_267, %dma_wait3A_274, %dma_wait3A_275] : memref<4x400x64xf32, #tpu.memory_space<vmem>> -> memref<1x400x64xf32, #tpu.memory_space<vmem>>
      %dma_wait3A_277 = tpu.memref_squeeze %dma_wait3A_276 : memref<1x400x64xf32, #tpu.memory_space<vmem>> -> memref<400x64xf32, #tpu.memory_space<vmem>>
      %dma_wait3A_278 = arith.constant 0 : i32
      %dma_wait3A_279 = tpu.memref_slice %arg4[%mul3A_2, %dma_wait3A_278] : memref<819200x64xf32, #tpu.memory_space<hbm>> -> memref<400x64xf32, #tpu.memory_space<hbm>>
      tpu.wait_dma2 semaphore(%arg8 : memref<!tpu.dma_semaphore, #tpu.memory_space<semaphore_mem>>) src(%dma_wait3A_279 : memref<400x64xf32, #tpu.memory_space<hbm>>) dst(%dma_wait3A_277 : memref<400x64xf32, #tpu.memory_space<vmem>>)
      %mul3A_280 = arith.constant 400 : i32
      %mul3A_281 = arith.muli %add3A_249, %mul3A_280 : i32
      %add3A_282 = arith.addi %mul3A_2, %mul3A_281 : i32
      %dma_start3A_283 = arith.constant 1 : i32
      %dma_start3A_284 = arith.constant 0 : i32
      %dma_start3A_285 = arith.constant 0 : i32
      %dma_start3A_286 = tpu.memref_slice %arg6[%dma_start3A_283, %dma_start3A_284, %dma_start3A_285] : memref<4x400x64xf32, #tpu.memory_space<vmem>> -> memref<1x400x64xf32, #tpu.memory_space<vmem>>
      %dma_start3A_287 = tpu.memref_squeeze %dma_start3A_286 : memref<1x400x64xf32, #tpu.memory_space<vmem>> -> memref<400x64xf32, #tpu.memory_space<vmem>>
      %dma_start3A_288 = arith.constant 0 : i32
      %dma_start3A_289 = tpu.memref_slice %arg4[%add3A_282, %dma_start3A_288] : memref<819200x64xf32, #tpu.memory_space<hbm>> -> memref<400x64xf32, #tpu.memory_space<hbm>>
      %dma_start3A_290 = arith.constant 0 : i32
      %dma_start3A_291 = tpu.memref_slice %arg4[%add3A_282, %dma_start3A_290] : memref<819200x64xf32, #tpu.memory_space<hbm>> -> memref<400x64xf32, #tpu.memory_space<hbm>>
      %dma_start3A_292 = arith.constant 0 : i32
      %dma_start3A_293 = arith.constant 0 : i32
      %dma_start3A_294 = tpu.memref_slice %arg6[%dma_start3A_283, %dma_start3A_292, %dma_start3A_293] : memref<4x400x64xf32, #tpu.memory_space<vmem>> -> memref<1x400x64xf32, #tpu.memory_space<vmem>>
      %dma_start3A_295 = tpu.memref_squeeze %dma_start3A_294 : memref<1x400x64xf32, #tpu.memory_space<vmem>> -> memref<400x64xf32, #tpu.memory_space<vmem>>
      tpu.enqueue_dma source(%dma_start3A_295 : memref<400x64xf32, #tpu.memory_space<vmem>>) target(%dma_start3A_291 : memref<400x64xf32, #tpu.memory_space<hbm>>) target_semaphore(%arg12 : memref<!tpu.dma_semaphore, #tpu.memory_space<semaphore_mem>>)
      %add3A_296 = arith.constant 2 : i32
      %add3A_297 = arith.addi %add3A_205, %add3A_296 : i32
      %add3A_298 = arith.constant 4 : i32
      %add3A_299 = arith.addi %add3A_297, %add3A_298 : i32
      %sub3A_300 = arith.constant 1 : i32
      %sub3A_301 = arith.subi %add3A_299, %sub3A_300 : i32
      %lt3A_302 = arith.constant 64 : i32
      %lt3A_303 = arith.cmpi slt, %sub3A_301, %lt3A_302 : i32
      %ge3A_304 = arith.constant 4 : i32
      %ge3A_305 = arith.cmpi sge, %sub3A_301, %ge3A_304 : i32
      %and3A_306 = arith.andi %lt3A_303, %ge3A_305 : i1
      %convert_element_type3A_307 = arith.extui %and3A_306 : i1 to i32
      %cond3A_308 = arith.constant 0 : i32
      %cond3A_309 = arith.cmpi ne, %convert_element_type3A_307, %cond3A_308 : i32
      scf.if %cond3A_309 {
        %dma_wait3A_392 = arith.constant 1 : i32
        %dma_wait3A_393 = arith.constant 0 : i32
        %dma_wait3A_394 = arith.constant 0 : i32
        %dma_wait3A_395 = tpu.memref_slice %arg6[%dma_wait3A_392, %dma_wait3A_393, %dma_wait3A_394] : memref<4x400x64xf32, #tpu.memory_space<vmem>> -> memref<1x400x64xf32, #tpu.memory_space<vmem>>
        %dma_wait3A_396 = tpu.memref_squeeze %dma_wait3A_395 : memref<1x400x64xf32, #tpu.memory_space<vmem>> -> memref<400x64xf32, #tpu.memory_space<vmem>>
        %dma_wait3A_397 = arith.constant 0 : i32
        %dma_wait3A_398 = tpu.memref_slice %arg4[%mul3A_2, %dma_wait3A_397] : memref<819200x64xf32, #tpu.memory_space<hbm>> -> memref<400x64xf32, #tpu.memory_space<hbm>>
        %dma_wait3A_399 = arith.constant 0 : i32
        %dma_wait3A_400 = arith.constant 0 : i32
        %dma_wait3A_401 = tpu.memref_slice %arg6[%dma_wait3A_392, %dma_wait3A_399, %dma_wait3A_400] : memref<4x400x64xf32, #tpu.memory_space<vmem>> -> memref<1x400x64xf32, #tpu.memory_space<vmem>>
        %dma_wait3A_402 = tpu.memref_squeeze %dma_wait3A_401 : memref<1x400x64xf32, #tpu.memory_space<vmem>> -> memref<400x64xf32, #tpu.memory_space<vmem>>
        %dma_wait3A_403 = arith.constant 0 : i32
        %dma_wait3A_404 = tpu.memref_slice %arg4[%mul3A_2, %dma_wait3A_403] : memref<819200x64xf32, #tpu.memory_space<hbm>> -> memref<400x64xf32, #tpu.memory_space<hbm>>
        tpu.wait_dma2 semaphore(%arg12 : memref<!tpu.dma_semaphore, #tpu.memory_space<semaphore_mem>>) src(%dma_wait3A_404 : memref<400x64xf32, #tpu.memory_space<hbm>>) dst(%dma_wait3A_402 : memref<400x64xf32, #tpu.memory_space<vmem>>)
      } else {
      }
      %lt3A_310 = arith.constant 64 : i32
      %lt3A_311 = arith.cmpi slt, %sub3A_301, %lt3A_310 : i32
      %convert_element_type3A_312 = arith.extui %lt3A_311 : i1 to i32
      %cond3A_313 = arith.constant 0 : i32
      %cond3A_314 = arith.cmpi ne, %convert_element_type3A_312, %cond3A_313 : i32
      scf.if %cond3A_314 {
        %mul3A_392 = arith.constant 4 : i32
        %mul3A_393 = arith.muli %sub3A_301, %mul3A_392 : i32
        %add3A_394 = arith.constant 0 : i32
        %add3A_395 = arith.addi %mul3A_393, %add3A_394 : i32
        %dma_start3A_396 = arith.constant 1 : i32
        %dma_start3A_397 = arith.constant 0 : i32
        %dma_start3A_398 = arith.constant 0 : i32
        %dma_start3A_399 = tpu.memref_slice %arg6[%dma_start3A_396, %dma_start3A_397, %dma_start3A_398] : memref<4x400x64xf32, #tpu.memory_space<vmem>> -> memref<1x100x64xf32, #tpu.memory_space<vmem>>
        %dma_start3A_400 = tpu.memref_squeeze %dma_start3A_399 : memref<1x100x64xf32, #tpu.memory_space<vmem>> -> memref<100x64xf32, #tpu.memory_space<vmem>>
        %dma_start3A_401 = arith.constant 0 : i32
        %dma_start3A_402 = tpu.memref_slice %arg5[%add3A_395, %dma_start3A_401] : memref<256x100xi32, #tpu.memory_space<vmem>> -> memref<1x100xi32, #tpu.memory_space<vmem>>
        %dma_start3A_403 = tpu.memref_squeeze %dma_start3A_402 : memref<1x100xi32, #tpu.memory_space<vmem>> -> memref<100xi32, #tpu.memory_space<vmem>>
        %dma_start3A_404 = arith.constant 0 : i32
        %dma_start3A_405 = arith.constant 0 : i32
        %dma_start3A_406 = tpu.memref_slice %arg2[%dma_start3A_404, %dma_start3A_405] : memref<1000000x64xf32, #tpu.memory_space<hbm>> -> memref<1000000x64xf32, #tpu.memory_space<hbm>>
        tpu.enqueue_indirect_dma source(%dma_start3A_406 : memref<1000000x64xf32, #tpu.memory_space<hbm>>) target(%dma_start3A_400 : memref<100x64xf32, #tpu.memory_space<vmem>>) offsets(%dma_start3A_403 : memref<100xi32, #tpu.memory_space<vmem>>) semaphore(%arg8 : memref<!tpu.dma_semaphore, #tpu.memory_space<semaphore_mem>>)
        %mul3A_407 = arith.constant 4 : i32
        %mul3A_408 = arith.muli %sub3A_301, %mul3A_407 : i32
        %add3A_409 = arith.constant 1 : i32
        %add3A_410 = arith.addi %mul3A_408, %add3A_409 : i32
        %dma_start3A_411 = arith.constant 1 : i32
        %dma_start3A_412 = arith.constant 100 : i32
        %dma_start3A_413 = arith.constant 0 : i32
        %dma_start3A_414 = tpu.memref_slice %arg6[%dma_start3A_411, %dma_start3A_412, %dma_start3A_413] : memref<4x400x64xf32, #tpu.memory_space<vmem>> -> memref<1x100x64xf32, #tpu.memory_space<vmem>>
        %dma_start3A_415 = tpu.memref_squeeze %dma_start3A_414 : memref<1x100x64xf32, #tpu.memory_space<vmem>> -> memref<100x64xf32, #tpu.memory_space<vmem>>
        %dma_start3A_416 = arith.constant 0 : i32
        %dma_start3A_417 = tpu.memref_slice %arg5[%add3A_410, %dma_start3A_416] : memref<256x100xi32, #tpu.memory_space<vmem>> -> memref<1x100xi32, #tpu.memory_space<vmem>>
        %dma_start3A_418 = tpu.memref_squeeze %dma_start3A_417 : memref<1x100xi32, #tpu.memory_space<vmem>> -> memref<100xi32, #tpu.memory_space<vmem>>
        %dma_start3A_419 = arith.constant 0 : i32
        %dma_start3A_420 = arith.constant 0 : i32
        %dma_start3A_421 = tpu.memref_slice %arg2[%dma_start3A_419, %dma_start3A_420] : memref<1000000x64xf32, #tpu.memory_space<hbm>> -> memref<1000000x64xf32, #tpu.memory_space<hbm>>
        tpu.enqueue_indirect_dma source(%dma_start3A_421 : memref<1000000x64xf32, #tpu.memory_space<hbm>>) target(%dma_start3A_415 : memref<100x64xf32, #tpu.memory_space<vmem>>) offsets(%dma_start3A_418 : memref<100xi32, #tpu.memory_space<vmem>>) semaphore(%arg8 : memref<!tpu.dma_semaphore, #tpu.memory_space<semaphore_mem>>)
        %mul3A_422 = arith.constant 4 : i32
        %mul3A_423 = arith.muli %sub3A_301, %mul3A_422 : i32
        %add3A_424 = arith.constant 2 : i32
        %add3A_425 = arith.addi %mul3A_423, %add3A_424 : i32
        %dma_start3A_426 = arith.constant 1 : i32
        %dma_start3A_427 = arith.constant 200 : i32
        %dma_start3A_428 = arith.constant 0 : i32
        %dma_start3A_429 = tpu.memref_slice %arg6[%dma_start3A_426, %dma_start3A_427, %dma_start3A_428] : memref<4x400x64xf32, #tpu.memory_space<vmem>> -> memref<1x100x64xf32, #tpu.memory_space<vmem>>
        %dma_start3A_430 = tpu.memref_squeeze %dma_start3A_429 : memref<1x100x64xf32, #tpu.memory_space<vmem>> -> memref<100x64xf32, #tpu.memory_space<vmem>>
        %dma_start3A_431 = arith.constant 0 : i32
        %dma_start3A_432 = tpu.memref_slice %arg5[%add3A_425, %dma_start3A_431] : memref<256x100xi32, #tpu.memory_space<vmem>> -> memref<1x100xi32, #tpu.memory_space<vmem>>
        %dma_start3A_433 = tpu.memref_squeeze %dma_start3A_432 : memref<1x100xi32, #tpu.memory_space<vmem>> -> memref<100xi32, #tpu.memory_space<vmem>>
        %dma_start3A_434 = arith.constant 0 : i32
        %dma_start3A_435 = arith.constant 0 : i32
        %dma_start3A_436 = tpu.memref_slice %arg2[%dma_start3A_434, %dma_start3A_435] : memref<1000000x64xf32, #tpu.memory_space<hbm>> -> memref<1000000x64xf32, #tpu.memory_space<hbm>>
        tpu.enqueue_indirect_dma source(%dma_start3A_436 : memref<1000000x64xf32, #tpu.memory_space<hbm>>) target(%dma_start3A_430 : memref<100x64xf32, #tpu.memory_space<vmem>>) offsets(%dma_start3A_433 : memref<100xi32, #tpu.memory_space<vmem>>) semaphore(%arg8 : memref<!tpu.dma_semaphore, #tpu.memory_space<semaphore_mem>>)
        %mul3A_437 = arith.constant 4 : i32
        %mul3A_438 = arith.muli %sub3A_301, %mul3A_437 : i32
        %add3A_439 = arith.constant 3 : i32
        %add3A_440 = arith.addi %mul3A_438, %add3A_439 : i32
        %dma_start3A_441 = arith.constant 1 : i32
        %dma_start3A_442 = arith.constant 300 : i32
        %dma_start3A_443 = arith.constant 0 : i32
        %dma_start3A_444 = tpu.memref_slice %arg6[%dma_start3A_441, %dma_start3A_442, %dma_start3A_443] : memref<4x400x64xf32, #tpu.memory_space<vmem>> -> memref<1x100x64xf32, #tpu.memory_space<vmem>>
        %dma_start3A_445 = tpu.memref_squeeze %dma_start3A_444 : memref<1x100x64xf32, #tpu.memory_space<vmem>> -> memref<100x64xf32, #tpu.memory_space<vmem>>
        %dma_start3A_446 = arith.constant 0 : i32
        %dma_start3A_447 = tpu.memref_slice %arg5[%add3A_440, %dma_start3A_446] : memref<256x100xi32, #tpu.memory_space<vmem>> -> memref<1x100xi32, #tpu.memory_space<vmem>>
        %dma_start3A_448 = tpu.memref_squeeze %dma_start3A_447 : memref<1x100xi32, #tpu.memory_space<vmem>> -> memref<100xi32, #tpu.memory_space<vmem>>
        %dma_start3A_449 = arith.constant 0 : i32
        %dma_start3A_450 = arith.constant 0 : i32
        %dma_start3A_451 = tpu.memref_slice %arg2[%dma_start3A_449, %dma_start3A_450] : memref<1000000x64xf32, #tpu.memory_space<hbm>> -> memref<1000000x64xf32, #tpu.memory_space<hbm>>
        tpu.enqueue_indirect_dma source(%dma_start3A_451 : memref<1000000x64xf32, #tpu.memory_space<hbm>>) target(%dma_start3A_445 : memref<100x64xf32, #tpu.memory_space<vmem>>) offsets(%dma_start3A_448 : memref<100xi32, #tpu.memory_space<vmem>>) semaphore(%arg8 : memref<!tpu.dma_semaphore, #tpu.memory_space<semaphore_mem>>)
      } else {
      }
      %dma_wait3A_315 = arith.constant 2 : i32
      %dma_wait3A_316 = arith.constant 0 : i32
      %dma_wait3A_317 = arith.constant 0 : i32
      %dma_wait3A_318 = tpu.memref_slice %arg6[%dma_wait3A_315, %dma_wait3A_316, %dma_wait3A_317] : memref<4x400x64xf32, #tpu.memory_space<vmem>> -> memref<1x400x64xf32, #tpu.memory_space<vmem>>
      %dma_wait3A_319 = tpu.memref_squeeze %dma_wait3A_318 : memref<1x400x64xf32, #tpu.memory_space<vmem>> -> memref<400x64xf32, #tpu.memory_space<vmem>>
      %dma_wait3A_320 = arith.constant 0 : i32
      %dma_wait3A_321 = tpu.memref_slice %arg4[%mul3A_2, %dma_wait3A_320] : memref<819200x64xf32, #tpu.memory_space<hbm>> -> memref<400x64xf32, #tpu.memory_space<hbm>>
      %dma_wait3A_322 = arith.constant 0 : i32
      %dma_wait3A_323 = arith.constant 0 : i32
      %dma_wait3A_324 = tpu.memref_slice %arg6[%dma_wait3A_315, %dma_wait3A_322, %dma_wait3A_323] : memref<4x400x64xf32, #tpu.memory_space<vmem>> -> memref<1x400x64xf32, #tpu.memory_space<vmem>>
      %dma_wait3A_325 = tpu.memref_squeeze %dma_wait3A_324 : memref<1x400x64xf32, #tpu.memory_space<vmem>> -> memref<400x64xf32, #tpu.memory_space<vmem>>
      %dma_wait3A_326 = arith.constant 0 : i32
      %dma_wait3A_327 = tpu.memref_slice %arg4[%mul3A_2, %dma_wait3A_326] : memref<819200x64xf32, #tpu.memory_space<hbm>> -> memref<400x64xf32, #tpu.memory_space<hbm>>
      tpu.wait_dma2 semaphore(%arg9 : memref<!tpu.dma_semaphore, #tpu.memory_space<semaphore_mem>>) src(%dma_wait3A_327 : memref<400x64xf32, #tpu.memory_space<hbm>>) dst(%dma_wait3A_325 : memref<400x64xf32, #tpu.memory_space<vmem>>)
      %mul3A_328 = arith.constant 400 : i32
      %mul3A_329 = arith.muli %add3A_297, %mul3A_328 : i32
      %add3A_330 = arith.addi %mul3A_2, %mul3A_329 : i32
      %dma_start3A_331 = arith.constant 2 : i32
      %dma_start3A_332 = arith.constant 0 : i32
      %dma_start3A_333 = arith.constant 0 : i32
      %dma_start3A_334 = tpu.memref_slice %arg6[%dma_start3A_331, %dma_start3A_332, %dma_start3A_333] : memref<4x400x64xf32, #tpu.memory_space<vmem>> -> memref<1x400x64xf32, #tpu.memory_space<vmem>>
      %dma_start3A_335 = tpu.memref_squeeze %dma_start3A_334 : memref<1x400x64xf32, #tpu.memory_space<vmem>> -> memref<400x64xf32, #tpu.memory_space<vmem>>
      %dma_start3A_336 = arith.constant 0 : i32
      %dma_start3A_337 = tpu.memref_slice %arg4[%add3A_330, %dma_start3A_336] : memref<819200x64xf32, #tpu.memory_space<hbm>> -> memref<400x64xf32, #tpu.memory_space<hbm>>
      %dma_start3A_338 = arith.constant 0 : i32
      %dma_start3A_339 = tpu.memref_slice %arg4[%add3A_330, %dma_start3A_338] : memref<819200x64xf32, #tpu.memory_space<hbm>> -> memref<400x64xf32, #tpu.memory_space<hbm>>
      %dma_start3A_340 = arith.constant 0 : i32
      %dma_start3A_341 = arith.constant 0 : i32
      %dma_start3A_342 = tpu.memref_slice %arg6[%dma_start3A_331, %dma_start3A_340, %dma_start3A_341] : memref<4x400x64xf32, #tpu.memory_space<vmem>> -> memref<1x400x64xf32, #tpu.memory_space<vmem>>
      %dma_start3A_343 = tpu.memref_squeeze %dma_start3A_342 : memref<1x400x64xf32, #tpu.memory_space<vmem>> -> memref<400x64xf32, #tpu.memory_space<vmem>>
      tpu.enqueue_dma source(%dma_start3A_343 : memref<400x64xf32, #tpu.memory_space<vmem>>) target(%dma_start3A_339 : memref<400x64xf32, #tpu.memory_space<hbm>>) target_semaphore(%arg13 : memref<!tpu.dma_semaphore, #tpu.memory_space<semaphore_mem>>)
      %add3A_344 = arith.constant 3 : i32
      %add3A_345 = arith.addi %add3A_205, %add3A_344 : i32
      %add3A_346 = arith.constant 4 : i32
      %add3A_347 = arith.addi %add3A_345, %add3A_346 : i32
      %sub3A_348 = arith.constant 1 : i32
      %sub3A_349 = arith.subi %add3A_347, %sub3A_348 : i32
      %lt3A_350 = arith.constant 64 : i32
      %lt3A_351 = arith.cmpi slt, %sub3A_349, %lt3A_350 : i32
      %ge3A_352 = arith.constant 4 : i32
      %ge3A_353 = arith.cmpi sge, %sub3A_349, %ge3A_352 : i32
      %and3A_354 = arith.andi %lt3A_351, %ge3A_353 : i1
      %convert_element_type3A_355 = arith.extui %and3A_354 : i1 to i32
      %cond3A_356 = arith.constant 0 : i32
      %cond3A_357 = arith.cmpi ne, %convert_element_type3A_355, %cond3A_356 : i32
      scf.if %cond3A_357 {
        %dma_wait3A_392 = arith.constant 2 : i32
        %dma_wait3A_393 = arith.constant 0 : i32
        %dma_wait3A_394 = arith.constant 0 : i32
        %dma_wait3A_395 = tpu.memref_slice %arg6[%dma_wait3A_392, %dma_wait3A_393, %dma_wait3A_394] : memref<4x400x64xf32, #tpu.memory_space<vmem>> -> memref<1x400x64xf32, #tpu.memory_space<vmem>>
        %dma_wait3A_396 = tpu.memref_squeeze %dma_wait3A_395 : memref<1x400x64xf32, #tpu.memory_space<vmem>> -> memref<400x64xf32, #tpu.memory_space<vmem>>
        %dma_wait3A_397 = arith.constant 0 : i32
        %dma_wait3A_398 = tpu.memref_slice %arg4[%mul3A_2, %dma_wait3A_397] : memref<819200x64xf32, #tpu.memory_space<hbm>> -> memref<400x64xf32, #tpu.memory_space<hbm>>
        %dma_wait3A_399 = arith.constant 0 : i32
        %dma_wait3A_400 = arith.constant 0 : i32
        %dma_wait3A_401 = tpu.memref_slice %arg6[%dma_wait3A_392, %dma_wait3A_399, %dma_wait3A_400] : memref<4x400x64xf32, #tpu.memory_space<vmem>> -> memref<1x400x64xf32, #tpu.memory_space<vmem>>
        %dma_wait3A_402 = tpu.memref_squeeze %dma_wait3A_401 : memref<1x400x64xf32, #tpu.memory_space<vmem>> -> memref<400x64xf32, #tpu.memory_space<vmem>>
        %dma_wait3A_403 = arith.constant 0 : i32
        %dma_wait3A_404 = tpu.memref_slice %arg4[%mul3A_2, %dma_wait3A_403] : memref<819200x64xf32, #tpu.memory_space<hbm>> -> memref<400x64xf32, #tpu.memory_space<hbm>>
        tpu.wait_dma2 semaphore(%arg13 : memref<!tpu.dma_semaphore, #tpu.memory_space<semaphore_mem>>) src(%dma_wait3A_404 : memref<400x64xf32, #tpu.memory_space<hbm>>) dst(%dma_wait3A_402 : memref<400x64xf32, #tpu.memory_space<vmem>>)
      } else {
      }
      %lt3A_358 = arith.constant 64 : i32
      %lt3A_359 = arith.cmpi slt, %sub3A_349, %lt3A_358 : i32
      %convert_element_type3A_360 = arith.extui %lt3A_359 : i1 to i32
      %cond3A_361 = arith.constant 0 : i32
      %cond3A_362 = arith.cmpi ne, %convert_element_type3A_360, %cond3A_361 : i32
      scf.if %cond3A_362 {
        %mul3A_392 = arith.constant 4 : i32
        %mul3A_393 = arith.muli %sub3A_349, %mul3A_392 : i32
        %add3A_394 = arith.constant 0 : i32
        %add3A_395 = arith.addi %mul3A_393, %add3A_394 : i32
        %dma_start3A_396 = arith.constant 2 : i32
        %dma_start3A_397 = arith.constant 0 : i32
        %dma_start3A_398 = arith.constant 0 : i32
        %dma_start3A_399 = tpu.memref_slice %arg6[%dma_start3A_396, %dma_start3A_397, %dma_start3A_398] : memref<4x400x64xf32, #tpu.memory_space<vmem>> -> memref<1x100x64xf32, #tpu.memory_space<vmem>>
        %dma_start3A_400 = tpu.memref_squeeze %dma_start3A_399 : memref<1x100x64xf32, #tpu.memory_space<vmem>> -> memref<100x64xf32, #tpu.memory_space<vmem>>
        %dma_start3A_401 = arith.constant 0 : i32
        %dma_start3A_402 = tpu.memref_slice %arg5[%add3A_395, %dma_start3A_401] : memref<256x100xi32, #tpu.memory_space<vmem>> -> memref<1x100xi32, #tpu.memory_space<vmem>>
        %dma_start3A_403 = tpu.memref_squeeze %dma_start3A_402 : memref<1x100xi32, #tpu.memory_space<vmem>> -> memref<100xi32, #tpu.memory_space<vmem>>
        %dma_start3A_404 = arith.constant 0 : i32
        %dma_start3A_405 = arith.constant 0 : i32
        %dma_start3A_406 = tpu.memref_slice %arg2[%dma_start3A_404, %dma_start3A_405] : memref<1000000x64xf32, #tpu.memory_space<hbm>> -> memref<1000000x64xf32, #tpu.memory_space<hbm>>
        tpu.enqueue_indirect_dma source(%dma_start3A_406 : memref<1000000x64xf32, #tpu.memory_space<hbm>>) target(%dma_start3A_400 : memref<100x64xf32, #tpu.memory_space<vmem>>) offsets(%dma_start3A_403 : memref<100xi32, #tpu.memory_space<vmem>>) semaphore(%arg9 : memref<!tpu.dma_semaphore, #tpu.memory_space<semaphore_mem>>)
        %mul3A_407 = arith.constant 4 : i32
        %mul3A_408 = arith.muli %sub3A_349, %mul3A_407 : i32
        %add3A_409 = arith.constant 1 : i32
        %add3A_410 = arith.addi %mul3A_408, %add3A_409 : i32
        %dma_start3A_411 = arith.constant 2 : i32
        %dma_start3A_412 = arith.constant 100 : i32
        %dma_start3A_413 = arith.constant 0 : i32
        %dma_start3A_414 = tpu.memref_slice %arg6[%dma_start3A_411, %dma_start3A_412, %dma_start3A_413] : memref<4x400x64xf32, #tpu.memory_space<vmem>> -> memref<1x100x64xf32, #tpu.memory_space<vmem>>
        %dma_start3A_415 = tpu.memref_squeeze %dma_start3A_414 : memref<1x100x64xf32, #tpu.memory_space<vmem>> -> memref<100x64xf32, #tpu.memory_space<vmem>>
        %dma_start3A_416 = arith.constant 0 : i32
        %dma_start3A_417 = tpu.memref_slice %arg5[%add3A_410, %dma_start3A_416] : memref<256x100xi32, #tpu.memory_space<vmem>> -> memref<1x100xi32, #tpu.memory_space<vmem>>
        %dma_start3A_418 = tpu.memref_squeeze %dma_start3A_417 : memref<1x100xi32, #tpu.memory_space<vmem>> -> memref<100xi32, #tpu.memory_space<vmem>>
        %dma_start3A_419 = arith.constant 0 : i32
        %dma_start3A_420 = arith.constant 0 : i32
        %dma_start3A_421 = tpu.memref_slice %arg2[%dma_start3A_419, %dma_start3A_420] : memref<1000000x64xf32, #tpu.memory_space<hbm>> -> memref<1000000x64xf32, #tpu.memory_space<hbm>>
        tpu.enqueue_indirect_dma source(%dma_start3A_421 : memref<1000000x64xf32, #tpu.memory_space<hbm>>) target(%dma_start3A_415 : memref<100x64xf32, #tpu.memory_space<vmem>>) offsets(%dma_start3A_418 : memref<100xi32, #tpu.memory_space<vmem>>) semaphore(%arg9 : memref<!tpu.dma_semaphore, #tpu.memory_space<semaphore_mem>>)
        %mul3A_422 = arith.constant 4 : i32
        %mul3A_423 = arith.muli %sub3A_349, %mul3A_422 : i32
        %add3A_424 = arith.constant 2 : i32
        %add3A_425 = arith.addi %mul3A_423, %add3A_424 : i32
        %dma_start3A_426 = arith.constant 2 : i32
        %dma_start3A_427 = arith.constant 200 : i32
        %dma_start3A_428 = arith.constant 0 : i32
        %dma_start3A_429 = tpu.memref_slice %arg6[%dma_start3A_426, %dma_start3A_427, %dma_start3A_428] : memref<4x400x64xf32, #tpu.memory_space<vmem>> -> memref<1x100x64xf32, #tpu.memory_space<vmem>>
        %dma_start3A_430 = tpu.memref_squeeze %dma_start3A_429 : memref<1x100x64xf32, #tpu.memory_space<vmem>> -> memref<100x64xf32, #tpu.memory_space<vmem>>
        %dma_start3A_431 = arith.constant 0 : i32
        %dma_start3A_432 = tpu.memref_slice %arg5[%add3A_425, %dma_start3A_431] : memref<256x100xi32, #tpu.memory_space<vmem>> -> memref<1x100xi32, #tpu.memory_space<vmem>>
        %dma_start3A_433 = tpu.memref_squeeze %dma_start3A_432 : memref<1x100xi32, #tpu.memory_space<vmem>> -> memref<100xi32, #tpu.memory_space<vmem>>
        %dma_start3A_434 = arith.constant 0 : i32
        %dma_start3A_435 = arith.constant 0 : i32
        %dma_start3A_436 = tpu.memref_slice %arg2[%dma_start3A_434, %dma_start3A_435] : memref<1000000x64xf32, #tpu.memory_space<hbm>> -> memref<1000000x64xf32, #tpu.memory_space<hbm>>
        tpu.enqueue_indirect_dma source(%dma_start3A_436 : memref<1000000x64xf32, #tpu.memory_space<hbm>>) target(%dma_start3A_430 : memref<100x64xf32, #tpu.memory_space<vmem>>) offsets(%dma_start3A_433 : memref<100xi32, #tpu.memory_space<vmem>>) semaphore(%arg9 : memref<!tpu.dma_semaphore, #tpu.memory_space<semaphore_mem>>)
        %mul3A_437 = arith.constant 4 : i32
        %mul3A_438 = arith.muli %sub3A_349, %mul3A_437 : i32
        %add3A_439 = arith.constant 3 : i32
        %add3A_440 = arith.addi %mul3A_438, %add3A_439 : i32
        %dma_start3A_441 = arith.constant 2 : i32
        %dma_start3A_442 = arith.constant 300 : i32
        %dma_start3A_443 = arith.constant 0 : i32
        %dma_start3A_444 = tpu.memref_slice %arg6[%dma_start3A_441, %dma_start3A_442, %dma_start3A_443] : memref<4x400x64xf32, #tpu.memory_space<vmem>> -> memref<1x100x64xf32, #tpu.memory_space<vmem>>
        %dma_start3A_445 = tpu.memref_squeeze %dma_start3A_444 : memref<1x100x64xf32, #tpu.memory_space<vmem>> -> memref<100x64xf32, #tpu.memory_space<vmem>>
        %dma_start3A_446 = arith.constant 0 : i32
        %dma_start3A_447 = tpu.memref_slice %arg5[%add3A_440, %dma_start3A_446] : memref<256x100xi32, #tpu.memory_space<vmem>> -> memref<1x100xi32, #tpu.memory_space<vmem>>
        %dma_start3A_448 = tpu.memref_squeeze %dma_start3A_447 : memref<1x100xi32, #tpu.memory_space<vmem>> -> memref<100xi32, #tpu.memory_space<vmem>>
        %dma_start3A_449 = arith.constant 0 : i32
        %dma_start3A_450 = arith.constant 0 : i32
        %dma_start3A_451 = tpu.memref_slice %arg2[%dma_start3A_449, %dma_start3A_450] : memref<1000000x64xf32, #tpu.memory_space<hbm>> -> memref<1000000x64xf32, #tpu.memory_space<hbm>>
        tpu.enqueue_indirect_dma source(%dma_start3A_451 : memref<1000000x64xf32, #tpu.memory_space<hbm>>) target(%dma_start3A_445 : memref<100x64xf32, #tpu.memory_space<vmem>>) offsets(%dma_start3A_448 : memref<100xi32, #tpu.memory_space<vmem>>) semaphore(%arg9 : memref<!tpu.dma_semaphore, #tpu.memory_space<semaphore_mem>>)
      } else {
      }
      %dma_wait3A_363 = arith.constant 3 : i32
      %dma_wait3A_364 = arith.constant 0 : i32
      %dma_wait3A_365 = arith.constant 0 : i32
      %dma_wait3A_366 = tpu.memref_slice %arg6[%dma_wait3A_363, %dma_wait3A_364, %dma_wait3A_365] : memref<4x400x64xf32, #tpu.memory_space<vmem>> -> memref<1x400x64xf32, #tpu.memory_space<vmem>>
      %dma_wait3A_367 = tpu.memref_squeeze %dma_wait3A_366 : memref<1x400x64xf32, #tpu.memory_space<vmem>> -> memref<400x64xf32, #tpu.memory_space<vmem>>
      %dma_wait3A_368 = arith.constant 0 : i32
      %dma_wait3A_369 = tpu.memref_slice %arg4[%mul3A_2, %dma_wait3A_368] : memref<819200x64xf32, #tpu.memory_space<hbm>> -> memref<400x64xf32, #tpu.memory_space<hbm>>
      %dma_wait3A_370 = arith.constant 0 : i32
      %dma_wait3A_371 = arith.constant 0 : i32
      %dma_wait3A_372 = tpu.memref_slice %arg6[%dma_wait3A_363, %dma_wait3A_370, %dma_wait3A_371] : memref<4x400x64xf32, #tpu.memory_space<vmem>> -> memref<1x400x64xf32, #tpu.memory_space<vmem>>
      %dma_wait3A_373 = tpu.memref_squeeze %dma_wait3A_372 : memref<1x400x64xf32, #tpu.memory_space<vmem>> -> memref<400x64xf32, #tpu.memory_space<vmem>>
      %dma_wait3A_374 = arith.constant 0 : i32
      %dma_wait3A_375 = tpu.memref_slice %arg4[%mul3A_2, %dma_wait3A_374] : memref<819200x64xf32, #tpu.memory_space<hbm>> -> memref<400x64xf32, #tpu.memory_space<hbm>>
      tpu.wait_dma2 semaphore(%arg10 : memref<!tpu.dma_semaphore, #tpu.memory_space<semaphore_mem>>) src(%dma_wait3A_375 : memref<400x64xf32, #tpu.memory_space<hbm>>) dst(%dma_wait3A_373 : memref<400x64xf32, #tpu.memory_space<vmem>>)
      %mul3A_376 = arith.constant 400 : i32
      %mul3A_377 = arith.muli %add3A_345, %mul3A_376 : i32
      %add3A_378 = arith.addi %mul3A_2, %mul3A_377 : i32
      %dma_start3A_379 = arith.constant 3 : i32
      %dma_start3A_380 = arith.constant 0 : i32
      %dma_start3A_381 = arith.constant 0 : i32
      %dma_start3A_382 = tpu.memref_slice %arg6[%dma_start3A_379, %dma_start3A_380, %dma_start3A_381] : memref<4x400x64xf32, #tpu.memory_space<vmem>> -> memref<1x400x64xf32, #tpu.memory_space<vmem>>
      %dma_start3A_383 = tpu.memref_squeeze %dma_start3A_382 : memref<1x400x64xf32, #tpu.memory_space<vmem>> -> memref<400x64xf32, #tpu.memory_space<vmem>>
      %dma_start3A_384 = arith.constant 0 : i32
      %dma_start3A_385 = tpu.memref_slice %arg4[%add3A_378, %dma_start3A_384] : memref<819200x64xf32, #tpu.memory_space<hbm>> -> memref<400x64xf32, #tpu.memory_space<hbm>>
      %dma_start3A_386 = arith.constant 0 : i32
      %dma_start3A_387 = tpu.memref_slice %arg4[%add3A_378, %dma_start3A_386] : memref<819200x64xf32, #tpu.memory_space<hbm>> -> memref<400x64xf32, #tpu.memory_space<hbm>>
      %dma_start3A_388 = arith.constant 0 : i32
      %dma_start3A_389 = arith.constant 0 : i32
      %dma_start3A_390 = tpu.memref_slice %arg6[%dma_start3A_379, %dma_start3A_388, %dma_start3A_389] : memref<4x400x64xf32, #tpu.memory_space<vmem>> -> memref<1x400x64xf32, #tpu.memory_space<vmem>>
      %dma_start3A_391 = tpu.memref_squeeze %dma_start3A_390 : memref<1x400x64xf32, #tpu.memory_space<vmem>> -> memref<400x64xf32, #tpu.memory_space<vmem>>
      tpu.enqueue_dma source(%dma_start3A_391 : memref<400x64xf32, #tpu.memory_space<vmem>>) target(%dma_start3A_387 : memref<400x64xf32, #tpu.memory_space<hbm>>) target_semaphore(%arg14 : memref<!tpu.dma_semaphore, #tpu.memory_space<semaphore_mem>>)
    }
    %scan3A_149 = arith.constant 16 : i32
    %dma_wait3A = arith.constant 0 : i32
    %dma_wait3A_150 = arith.constant 0 : i32
    %dma_wait3A_151 = arith.constant 0 : i32
    %dma_wait3A_152 = tpu.memref_slice %arg6[%dma_wait3A, %dma_wait3A_150, %dma_wait3A_151] : memref<4x400x64xf32, #tpu.memory_space<vmem>> -> memref<1x400x64xf32, #tpu.memory_space<vmem>>
    %dma_wait3A_153 = tpu.memref_squeeze %dma_wait3A_152 : memref<1x400x64xf32, #tpu.memory_space<vmem>> -> memref<400x64xf32, #tpu.memory_space<vmem>>
    %dma_wait3A_154 = arith.constant 0 : i32
    %dma_wait3A_155 = tpu.memref_slice %arg4[%mul3A_2, %dma_wait3A_154] : memref<819200x64xf32, #tpu.memory_space<hbm>> -> memref<400x64xf32, #tpu.memory_space<hbm>>
    %dma_wait3A_156 = arith.constant 0 : i32
    %dma_wait3A_157 = arith.constant 0 : i32
    %dma_wait3A_158 = tpu.memref_slice %arg6[%dma_wait3A, %dma_wait3A_156, %dma_wait3A_157] : memref<4x400x64xf32, #tpu.memory_space<vmem>> -> memref<1x400x64xf32, #tpu.memory_space<vmem>>
    %dma_wait3A_159 = tpu.memref_squeeze %dma_wait3A_158 : memref<1x400x64xf32, #tpu.memory_space<vmem>> -> memref<400x64xf32, #tpu.memory_space<vmem>>
    %dma_wait3A_160 = arith.constant 0 : i32
    %dma_wait3A_161 = tpu.memref_slice %arg4[%mul3A_2, %dma_wait3A_160] : memref<819200x64xf32, #tpu.memory_space<hbm>> -> memref<400x64xf32, #tpu.memory_space<hbm>>
    tpu.wait_dma2 semaphore(%arg11 : memref<!tpu.dma_semaphore, #tpu.memory_space<semaphore_mem>>) src(%dma_wait3A_161 : memref<400x64xf32, #tpu.memory_space<hbm>>) dst(%dma_wait3A_159 : memref<400x64xf32, #tpu.memory_space<vmem>>)
    %dma_wait3A_162 = arith.constant 1 : i32
    %dma_wait3A_163 = arith.constant 0 : i32
    %dma_wait3A_164 = arith.constant 0 : i32
    %dma_wait3A_165 = tpu.memref_slice %arg6[%dma_wait3A_162, %dma_wait3A_163, %dma_wait3A_164] : memref<4x400x64xf32, #tpu.memory_space<vmem>> -> memref<1x400x64xf32, #tpu.memory_space<vmem>>
    %dma_wait3A_166 = tpu.memref_squeeze %dma_wait3A_165 : memref<1x400x64xf32, #tpu.memory_space<vmem>> -> memref<400x64xf32, #tpu.memory_space<vmem>>
    %dma_wait3A_167 = arith.constant 0 : i32
    %dma_wait3A_168 = tpu.memref_slice %arg4[%mul3A_2, %dma_wait3A_167] : memref<819200x64xf32, #tpu.memory_space<hbm>> -> memref<400x64xf32, #tpu.memory_space<hbm>>
    %dma_wait3A_169 = arith.constant 0 : i32
    %dma_wait3A_170 = arith.constant 0 : i32
    %dma_wait3A_171 = tpu.memref_slice %arg6[%dma_wait3A_162, %dma_wait3A_169, %dma_wait3A_170] : memref<4x400x64xf32, #tpu.memory_space<vmem>> -> memref<1x400x64xf32, #tpu.memory_space<vmem>>
    %dma_wait3A_172 = tpu.memref_squeeze %dma_wait3A_171 : memref<1x400x64xf32, #tpu.memory_space<vmem>> -> memref<400x64xf32, #tpu.memory_space<vmem>>
    %dma_wait3A_173 = arith.constant 0 : i32
    %dma_wait3A_174 = tpu.memref_slice %arg4[%mul3A_2, %dma_wait3A_173] : memref<819200x64xf32, #tpu.memory_space<hbm>> -> memref<400x64xf32, #tpu.memory_space<hbm>>
    tpu.wait_dma2 semaphore(%arg12 : memref<!tpu.dma_semaphore, #tpu.memory_space<semaphore_mem>>) src(%dma_wait3A_174 : memref<400x64xf32, #tpu.memory_space<hbm>>) dst(%dma_wait3A_172 : memref<400x64xf32, #tpu.memory_space<vmem>>)
    %dma_wait3A_175 = arith.constant 2 : i32
    %dma_wait3A_176 = arith.constant 0 : i32
    %dma_wait3A_177 = arith.constant 0 : i32
    %dma_wait3A_178 = tpu.memref_slice %arg6[%dma_wait3A_175, %dma_wait3A_176, %dma_wait3A_177] : memref<4x400x64xf32, #tpu.memory_space<vmem>> -> memref<1x400x64xf32, #tpu.memory_space<vmem>>
    %dma_wait3A_179 = tpu.memref_squeeze %dma_wait3A_178 : memref<1x400x64xf32, #tpu.memory_space<vmem>> -> memref<400x64xf32, #tpu.memory_space<vmem>>
    %dma_wait3A_180 = arith.constant 0 : i32
    %dma_wait3A_181 = tpu.memref_slice %arg4[%mul3A_2, %dma_wait3A_180] : memref<819200x64xf32, #tpu.memory_space<hbm>> -> memref<400x64xf32, #tpu.memory_space<hbm>>
    %dma_wait3A_182 = arith.constant 0 : i32
    %dma_wait3A_183 = arith.constant 0 : i32
    %dma_wait3A_184 = tpu.memref_slice %arg6[%dma_wait3A_175, %dma_wait3A_182, %dma_wait3A_183] : memref<4x400x64xf32, #tpu.memory_space<vmem>> -> memref<1x400x64xf32, #tpu.memory_space<vmem>>
    %dma_wait3A_185 = tpu.memref_squeeze %dma_wait3A_184 : memref<1x400x64xf32, #tpu.memory_space<vmem>> -> memref<400x64xf32, #tpu.memory_space<vmem>>
    %dma_wait3A_186 = arith.constant 0 : i32
    %dma_wait3A_187 = tpu.memref_slice %arg4[%mul3A_2, %dma_wait3A_186] : memref<819200x64xf32, #tpu.memory_space<hbm>> -> memref<400x64xf32, #tpu.memory_space<hbm>>
    tpu.wait_dma2 semaphore(%arg13 : memref<!tpu.dma_semaphore, #tpu.memory_space<semaphore_mem>>) src(%dma_wait3A_187 : memref<400x64xf32, #tpu.memory_space<hbm>>) dst(%dma_wait3A_185 : memref<400x64xf32, #tpu.memory_space<vmem>>)
    %dma_wait3A_188 = arith.constant 3 : i32
    %dma_wait3A_189 = arith.constant 0 : i32
    %dma_wait3A_190 = arith.constant 0 : i32
    %dma_wait3A_191 = tpu.memref_slice %arg6[%dma_wait3A_188, %dma_wait3A_189, %dma_wait3A_190] : memref<4x400x64xf32, #tpu.memory_space<vmem>> -> memref<1x400x64xf32, #tpu.memory_space<vmem>>
    %dma_wait3A_192 = tpu.memref_squeeze %dma_wait3A_191 : memref<1x400x64xf32, #tpu.memory_space<vmem>> -> memref<400x64xf32, #tpu.memory_space<vmem>>
    %dma_wait3A_193 = arith.constant 0 : i32
    %dma_wait3A_194 = tpu.memref_slice %arg4[%mul3A_2, %dma_wait3A_193] : memref<819200x64xf32, #tpu.memory_space<hbm>> -> memref<400x64xf32, #tpu.memory_space<hbm>>
    %dma_wait3A_195 = arith.constant 0 : i32
    %dma_wait3A_196 = arith.constant 0 : i32
    %dma_wait3A_197 = tpu.memref_slice %arg6[%dma_wait3A_188, %dma_wait3A_195, %dma_wait3A_196] : memref<4x400x64xf32, #tpu.memory_space<vmem>> -> memref<1x400x64xf32, #tpu.memory_space<vmem>>
    %dma_wait3A_198 = tpu.memref_squeeze %dma_wait3A_197 : memref<1x400x64xf32, #tpu.memory_space<vmem>> -> memref<400x64xf32, #tpu.memory_space<vmem>>
    %dma_wait3A_199 = arith.constant 0 : i32
    %dma_wait3A_200 = tpu.memref_slice %arg4[%mul3A_2, %dma_wait3A_199] : memref<819200x64xf32, #tpu.memory_space<hbm>> -> memref<400x64xf32, #tpu.memory_space<hbm>>
    tpu.wait_dma2 semaphore(%arg14 : memref<!tpu.dma_semaphore, #tpu.memory_space<semaphore_mem>>) src(%dma_wait3A_200 : memref<400x64xf32, #tpu.memory_space<hbm>>) dst(%dma_wait3A_198 : memref<400x64xf32, #tpu.memory_space<vmem>>)
    return
  }
}

</mosaic_0001>

<sc_bundles>
// kernel: _sc_gather.3.cloned.1.call-start
scs
__scs_entry_jumppad:
0x0: {  	(pc) =	sbr.rel $0x88, $3  }
0x1: {  	(tag) =	ssettag $0x0;
	lr =	simm.s32 $0x1  }
0x2: {  	[smem:$0x3F9F] =	sst lr;
	_ =	strace $0xD0000000  }
0x3: {  	_ = 	snop  }
0x4: {  	_ = 	snop  }
0x5: {  	_ = 	snop  }
0x6: {  	_ = 	snop  }
0x7: {  	_ = 	snop  }
__scs_overlays_trampoline_lowered:
0x8: {  	[smem:$0x3FAE] =	sst s0  }
0x9: {  	[smem:$0x3FAF] =	sst s1  }
0xa: {  	[smem:$0x3FB0] =	sst s2  }
0xb: {  	[smem:$0x3FB1] =	sst s3  }
0xc: {  	[smem:$0x3FB2] =	sst s4  }
0xd: {  	[smem:$0x3FB3] =	sst s5  }
0xe: {  	[smem:$0x3FB4] =	sst s6  }
0xf: {  	[smem:$0x3FB5] =	sst s7  }
0x10: {  	[smem:$0x3FB6] =	sst s8  }
0x11: {  	[smem:$0x3FB7] =	sst s9;
	s0 =	simm.s32 @!p0 $0x0  }
0x12: {  	s1 =	sld [smem:$0x3F9D];
	s0 =	simm.s32 @p0 $0x1  }
0x13: {  	[smem:$0x3FB8] =	sst s0;
	s0 =	simm.s32 @!p1 $0x0  }
0x14: {  	s2 =	sld [smem:$0x3F9C];
	s0 =	simm.s32 @p1 $0x1  }
0x15: {  	[smem:$0x3FB9] =	sst s0;
	s0 =	simm.s32 @!p2 $0x0  }
0x16: {  	s3 =	sld [smem:$0x3FDB];
	s0 =	simm.s32 @p2 $0x1  }
0x17: {  	s4 =	simm.s32 $0x1BF5;
	[smem:$0x3FBB] =	sst s0  }
0x18: {  	s0 =	sld [smem:$0x3F9E];
	_ =	swait.ge [sflag:s4], $0x0  }
0x19: {  	s7 =	sld [smem:$0x3F9F]  }
0x1a: {  	s8 =	sadd.s32 $0xFFFFE003, lr  }
0x1b: {  	s9 =	sadd.s32 $0xFFFFFEF7, lr;
	s5 =	simm.s32 $0xFFFFFFFF;
	p2 =	slt.u32 s8, $0xFFFFF086  }
0x1c: {  	p1 =	slt.u32 s9, $0xF7A;
	s5 =	simm.s32 @!p2 $0x0  }
0x1d: {  	s5 =	simm.s32 @p1 $0x1;
	p0 =	seq.s32 s7, s2  }
0x1e: {  	s7 =	smul.u32 @!p0 $0xF7A, s2;
	p2 =	seq.s32 @!p0 s5, $0x0  }
0x1f: {  	s9 =	smul.u32 $0xF7A, s1;
	s8 =	simm.s32 @!p0 $0x1BF5;
	p2 =	por !p2, p0  }
0x20: {  	[sflag:s8] =	ssyncset.s32 @!p0 $0xFFFFF086;
	s6 =	sadd.s32 @!p0 s3, s7;
	s7 =	simm.s32 @!p0 $0x108  }
0x21: {  	s3 =	sadd.s32 s3, s9;
	s6 =	sadd.s32 @!p0 $0x88, s6;
	s7 =	simm.s32 @p2 $0x1082  }
0x22: {  	[simem:s7], [sflag:s8] =	dma.local @!p0 [hbm:s6], $0xF7A  }
0x23: {  	s9 =	sor.u32 $0xD0000000, s2;
	s6 =	simm.s32 $0x108;
	_ =	swait.ge @!p0 [sflag:s8], $0x0  }
0x24: {  	s3 =	sadd.s32 $0x88, s3;
	s6 =	simm.s32 @!p1 $0x1082;
	[sflag:s4] =	ssyncset.s32 $0xFFFFF086  }
0x25: {  	[simem:s6], [sflag:s4] =	dma.local [hbm:s3], $0xF7A  }
0x26: {  	[smem:$0x3F9F] =	sst s1;
	(tag) =	ssettag s2;
	_ =	strace s9  }
0x27: {  	s1 =	sld [smem:$0x3FAF]  }
0x28: {  	s2 =	sld [smem:$0x3FB0]  }
0x29: {  	s4 =	sld [smem:$0x3FB2]  }
0x2a: {  	p0 =	seq.s32 s5, $0x0;
	s5 =	sld [smem:$0x3FB3]  }
0x2b: {  	s6 =	sld [smem:$0x3FB4]  }
0x2c: {  	s7 =	sld [smem:$0x3FB5]  }
0x2d: {  	s3 =	simm.s32 $0x108;
	s8 =	sld [smem:$0x3FB6]  }
0x2e: {  	s3 =	simm.s32 @!p0 $0x1082;
	s9 =	sld [smem:$0x3FB7]  }
0x2f: {  	lr =	sadd.s32 s0, s3;
	s0 =	sld [smem:$0x3FAE]  }
0x30: {  	s3 =	sld [smem:$0x3FB1]  }
0x31: {  	[smem:$0x3FBA] =	sst s10  }
0x32: {  	s10 =	sld [smem:$0x3FB8];
	_ =	sdelay $0x3  }
0x33: {  	p0 =	seq.s32 s10, $0x1;
	s10 =	sld [smem:$0x3FBA];
	_ =	sdelay $0x3  }
0x34: {  	[smem:$0x3FBA] =	sst s10  }
0x35: {  	s10 =	sld [smem:$0x3FB9];
	_ =	sdelay $0x3  }
0x36: {  	p1 =	seq.s32 s10, $0x1;
	s10 =	sld [smem:$0x3FBA];
	_ =	sdelay $0x3  }
0x37: {  	[smem:$0x3FBA] =	sst s10  }
0x38: {  	s10 =	sld [smem:$0x3FBB]  }
0x39: {  	_ = 	snop;
	(pc) =	sbr.ind lr, $3  }
0x3a: {  	_ = 	snop  }
0x3b: {  	_ = 	snop  }
0x3c: {  	p2 =	seq.s32 s10, $0x1;
	s10 =	sld [smem:$0x3FBA]  }
0x3d: {  	_ =	shalt  }
0x3e: {  	_ =	shalt  }
0x3f: {  	_ =	shalt  }
0x40: {  	_ =	shalt  }
0x41: {  	_ =	shalt  }
0x42: {  	_ =	shalt  }
0x43: {  	_ =	shalt  }
0x44: {  	_ =	shalt  }
0x45: {  	_ =	shalt  }
0x46: {  	_ =	shalt  }
0x47: {  	_ =	shalt  }
0x48: {  	_ =	shalt  }
0x49: {  	_ =	shalt  }
0x4a: {  	_ =	shalt  }
0x4b: {  	_ =	shalt  }
0x4c: {  	_ =	shalt  }
0x4d: {  	_ =	shalt  }
0x4e: {  	_ =	shalt  }
0x4f: {  	_ =	shalt  }
0x50: {  	_ =	shalt  }
0x51: {  	_ =	shalt  }
0x52: {  	_ =	shalt  }
0x53: {  	_ =	shalt  }
0x54: {  	_ =	shalt  }
0x55: {  	_ =	shalt  }
0x56: {  	_ =	shalt  }
0x57: {  	_ =	shalt  }
0x58: {  	_ =	shalt  }
0x59: {  	_ =	shalt  }
0x5a: {  	_ =	shalt  }
0x5b: {  	_ =	shalt  }
0x5c: {  	_ =	shalt  }
0x5d: {  	_ =	shalt  }
0x5e: {  	_ =	shalt  }
0x5f: {  	_ =	shalt  }
0x60: {  	_ =	shalt  }
0x61: {  	_ =	shalt  }
0x62: {  	_ =	shalt  }
0x63: {  	_ =	shalt  }
0x64: {  	_ =	shalt  }
0x65: {  	_ =	shalt  }
0x66: {  	_ =	shalt  }
0x67: {  	_ =	shalt  }
0x68: {  	_ =	shalt  }
0x69: {  	_ =	shalt  }
0x6a: {  	_ =	shalt  }
0x6b: {  	_ =	shalt  }
0x6c: {  	_ =	shalt  }
0x6d: {  	_ =	shalt  }
0x6e: {  	_ =	shalt  }
0x6f: {  	_ =	shalt  }
0x70: {  	_ =	shalt  }
0x71: {  	_ =	shalt  }
0x72: {  	_ =	shalt  }
0x73: {  	_ =	shalt  }
0x74: {  	_ =	shalt  }
0x75: {  	_ =	shalt  }
0x76: {  	_ =	shalt  }
0x77: {  	_ =	shalt  }
0x78: {  	_ =	shalt  }
0x79: {  	_ =	shalt  }
0x7a: {  	_ =	shalt  }
0x7b: {  	_ =	shalt  }
0x7c: {  	_ =	shalt  }
0x7d: {  	_ =	shalt  }
0x7e: {  	_ =	shalt  }
0x7f: {  	_ =	shalt  }
0x80: {  	_ =	shalt  }
0x81: {  	_ =	shalt  }
0x82: {  	_ =	shalt  }
0x83: {  	_ =	shalt  }
0x84: {  	_ =	shalt  }
0x85: {  	_ =	shalt  }
0x86: {  	_ =	shalt  }
0x87: {  	_ =	shalt  }
.Lfunc_end0:
.L_simem_size_0:
called_computation.1_lowered:
.L_overlay_start_0:
0x88: {  	s2 =	sld [smem:$0x3FD9]  }
0x89: {  	s3 =	sld [smem:$0x3FFE];
	_ =	sdelay $0x1  }
0x8a: {  	s1 =	srdreg.scid  }
0x8b: {  	s0 =	sand.u32 $0x1, s1  }
0x8c: {  	s17 =	sshll.u32 s0, $0xA;
	s2 =	sadd.s32 s3, s2  }
0x8d: {  	s2 =	sadd.s32 s2, s17  }
0x8e: {  	[smem:$0x3FC6] =	sst s2  }
0x8f: {  	_ = 	snop  }
0x90: {  	s2 =	sld [smem:$0x3FD0];
	(tm) =	ssettm $0x1  }
0x91: {  	s18 =	sld [smem:$0x3FFB];
	_ =	sdelay $0x3  }
0x92: {  	_ =	strace s18  }
0x93: {  	s3 =	sld [smem:$0x3FFC];
	_ =	sdelay $0x3  }
0x94: {  	_ =	strace s3  }
0x95: {  	s3 =	sld [smem:$0x3FFD];
	_ =	sdelay $0x3  }
0x96: {  	_ =	strace s3  }
0x97: {  	_ =	strace $0x8FFFFFFF  }
0x98: {  	s19 =	sld [smem:$0x3FDB];
	_ =	sdelay $0x1  }
0x99: {  	s4 =	simm.s32 $_scs_section_size  }
0x9a: {  	s5 =	simm.s32 $_size__tile_overlayer_lowered;
	s6 =	simm.s32 $_tile_overlayer_lowered  }
0x9b: {  	s22 =	simm.s32 $0x1BFF;
	s21 =	sshll.u32 s6, $0x1;
	s3 =	sadd.s32 s4, s19  }
0x9c: {  	s7 =	simm.s32 $0x0;
	s20 =	sshll.u32 s5, $0x1;
	s5 =	sadd.s32 s21, s3  }
0x9d: {  	[timem:s7], [sflag:s22] =	dma.local [hbm:s5], s20  }
0x9e: {  	_ =	swait.ge [sflag:s22], s20  }
0x9f: {  	s4 =	ssub.s32 $0x0, s20;
	[sflag:s22] =	ssyncset.done $0x0  }
0xa0: {  	[sflag:s22] =	ssyncadd.s32 s4;
	_ =	sdelay $0x1  }
0xa1: {  	s23 =	simm.s32 $0x1B8B  }
0xa2: {  	_ =	swait.ge [sflag:s23], $0x1  }
0xa3: {  	[sflag:s23] =	ssyncset.done $0x0  }
0xa4: {  	s25 =	simm.s32 $0x1B8E;
	s24 =	sld [smem:$0x3FFE];
	[sflag:s23] =	ssyncadd.s32 $0xFFFFFFFF  }
0xa5: {  	s26 =	simm.s32 $execute0_lowered;
	[smem:$0x3FD2] =	sst s25  }
0xa6: {  	s5 =	sshll.u32 s26, $0x1;
	_ =	strace $0x80000046;
	[dreg:$0x1] =	wrdreg $0xFFFFFFFF  }
0xa7: {  	s28 =	simm.s32 $_size_execute0_lowered;
	s3 =	sadd.s32 s3, s5;
	[dreg:$0x0] =	wrdreg $0x0  }
0xa8: {  	s5 =	sshll.u32 s28, $0x1;
	[dreg:$0x2] =	wrdreg s3  }
0xa9: {  	[dreg:$0x3] =	wrdreg s5  }
0xaa: {  	[dreg:$0x4] =	wrdreg $0xC0  }
0xab: {  	_ =	task [dreg:s7], $0x5FFFF  }
0xac: {  	[dreg:$0x1] =	wrdreg $0xFFFFFFFF  }
0xad: {  	[dreg:$0x0] =	wrdreg $0x60  }
0xae: {  	[dreg:$0x2] =	wrdreg s24  }
0xaf: {  	[dreg:$0x3] =	wrdreg s2  }
0xb0: {  	[dreg:$0x4] =	wrdreg $0x9  }
0xb1: {  	_ =	task.clear_ibuf [dreg:s7], $0x5FFFF;
	_ =	strace $0x90000046  }
0xb2: {  	s29 =	simm.s32 $0x9;
	_ =	strace $0x80000048  }
0xb3: {  	_ =	swait.ge [sflag:s29], $0x1  }
0xb4: {  	[sflag:s29] =	ssyncadd.s32 $0xFFFFFFFF  }
0xb5: {  	_ =	strace $0x90000048  }
0xb6: {  	_ =	sfence  }
0xb7: {  	s30 =	sld [smem:$0x0];
	_ =	sdelay $0x2  }
0xb8: {  	s31 =	sshll.u32 s1, $0xD;
	s1 =	sshrl.u32 s1, $0x2  }
0xb9: {  	s3 =	sand.u32 $0x4000, s31;
	s1 =	sadd.s32 s1, s30  }
0xba: {  	s0 =	sor.u32 s3, s0;
	s1 =	sshll.u32 s1, $0x11  }
0xbb: {  	s0 =	sor.u32 s1, s0  }
0xbc: {  	s0 =	sadd.s32 $0x8F2B, s0  }
0xbd: {  	[sflag:s0] =	ssyncadd.remote.s32 $0x1  }
0xbe: {  	_ =	sfence.sel $0xFFFF  }
0xbf: {  	[dreg:$0x0] =	wrdreg $0xFFFFFFFF;
	(pc) =	sbr.abs _section_cstart, $3  }
0xc0: {  	[dreg:$0x1] =	wrdreg $0xFFFFFFFF  }
0xc1: {  	_ =	task.clear_ibuf [dreg:s7], $0x2FFFF;
	_ =	strace $0x9FFFFFFF  }
0xc2: {  	(tm) =	ssettm $0x7FFFFFFF  }
0xc3: {  	_ =	shalt  }
tec
execute0_lowered:
.L_overlay_start_1:
0x0: {  	(tag) =	ssettag $0x1  }
0x1: {  	s0 =	srdreg.scid  }
0x2: {  	s9 =	stileid.u32;
	s1 =	rddreg [dreg:$0x0]  }
0x3: {  	s6 =	rddreg [dreg:$0x1];
	s11 =	simm.s32 $0x64;
	s12 =	simm.s32 $0x6800  }
0x4: {  	s20 =	simm.s32 $0xCC00;
	s28 =	simm.s32 $0x1AD00;
	s30 =	simm.s32 $0x1C600  }
0x5: {  	s31 =	simm.s32 $0x1DF00;
	s29 =	simm.s32 $0x13000;
	s5 =	smul.u32 $0xC800, s9  }
0x6: {  	s15 =	simm.s32 $0x19400;
	s0 =	sand.u32 $0x1, s0;
	s23 =	smul.u32 $0x64000, s9  }
0x7: {  	s16 =	simm.s32 $0x1;
	s2 =	sshll.u32 s9, $0x1;
	s8 =	smul.u32 $0x6400, s0  }
0x8: {  	s3 =	sor.u32 s0, s2;
	s7 =	ssub.s32 $0x2, s0;
	s0 =	smul.u32 $0x32000, s0  }
0x9: {  	s17 =	simm.s32 $0x2;
	s2 =	simm.s32 $0x0;
	s4 =	smul.u32 $0xD00, s3  }
0xa: {  	[smem:$0x7FF] =	sst s2;
	s3 =	sadd.s32 $0xF42E00, s1;
	s22 =	sshrl.u32 s7, $0x1  }
0xb: {  	_ =	strace $0x80000047;
	s7 =	ssub.s32 s7, s22;
	[dreg:$0x3] =	wrdreg s28  }
0xc: {  	s5 =	sadd.s32 s8, s5;
	s8 =	sadd.s32 s23, s6;
	[dreg:$0x4] =	wrdreg s30  }
0xd: {  	[dreg:$0x5] =	wrdreg s31;
	s1 =	sadd.s32 s4, s1;
	s4 =	smax.u32 s7, $0x1  }
0xe: {  	s24 =	sshll.u32 s5, $0x3;
	s1 =	sadd.s32 $0xA00, s1;
	[dreg:$0x7] =	wrdreg s4  }
0xf: {  	s0 =	sadd.s32 s0, s8;
	[dreg:$0x6] =	wrdreg s1;
	s1 =	sadd.s32 s6, s24  }
0x10: {  	s18 =	simm.s32 $0x3;
	[dreg:$0xa] =	wrdreg s0;
	s25 =	sadd.s32 $0x1900, s1  }
0x11: {  	s19 =	simm.s32 $0x4;
	s26 =	sadd.s32 $0xC80, s1;
	[dreg:$0x8] =	wrdreg s25  }
0x12: {  	s13 =	sadd.s32 $0x2580, s1;
	[dreg:$0x9] =	wrdreg s26;
	s25 =	simm.s32 $0x0  }
.LBB2_1:
0x13: {  	s0 =	rddreg [dreg:$0x6];
	s4 =	simm.s32 $0x9  }
0x14: {  	[tilespmem:s2], [sflag:$0x9] =	stream.linear.gather [hbm4b:s0+s2], $0x6800, $0x38;
	[tilespmem:$0x1F800] =	vst v63  }
0x15: {  	_ =	swait.ge [sflag:s4], $0x6800  }
0x16: {  	[sflag:s4] =	ssyncset.done $0x0  }
0x17: {  	[sflag:s4] =	ssyncadd.s32 $0xFFFF9800  }
0x18: {  	[tilespmem:s12], [sflag:$0x1] =	stream.indirect.gather [hbm4b:s3+s11], $0x40, s2, s11, $0xb8;
	[tilespmem:$0x1F800] =	vst v63  }
0x19: {  	s5 =	simm.s32 $0x68;
	s1 =	simm.s32 $0x8100  }
0x1a: {  	[tilespmem:s1], [sflag:$0x1] =	stream.indirect.gather [hbm4b:s3+s11], $0x40, s5, s11, $0xb8;
	[tilespmem:$0x1F800] =	vst v63  }
0x1b: {  	s6 =	simm.s32 $0xD0;
	s7 =	simm.s32 $0x9A00  }
0x1c: {  	[tilespmem:s7], [sflag:$0x1] =	stream.indirect.gather [hbm4b:s3+s11], $0x40, s6, s11, $0xb8;
	[tilespmem:$0x1F800] =	vst v63  }
0x1d: {  	s8 =	simm.s32 $0x138;
	s9 =	simm.s32 $0xB300  }
0x1e: {  	[tilespmem:s9], [sflag:$0x1] =	stream.indirect.gather [hbm4b:s3+s11], $0x40, s8, s11, $0xb8;
	[tilespmem:$0x1F800] =	vst v63  }
0x1f: {  	s10 =	simm.s32 $0x1A0  }
0x20: {  	[tilespmem:s20], [sflag:$0x2] =	stream.indirect.gather [hbm4b:s3+s11], $0x40, s10, s11, $0xb8;
	[tilespmem:$0x1F800] =	vst v63  }
0x21: {  	s14 =	simm.s32 $0x208;
	s21 =	simm.s32 $0xE500  }
0x22: {  	[tilespmem:s21], [sflag:$0x2] =	stream.indirect.gather [hbm4b:s3+s11], $0x40, s14, s11, $0xb8;
	[tilespmem:$0x1F800] =	vst v63  }
0x23: {  	s22 =	simm.s32 $0x270;
	s23 =	simm.s32 $0xFE00  }
0x24: {  	[tilespmem:s23], [sflag:$0x2] =	stream.indirect.gather [hbm4b:s3+s11], $0x40, s22, s11, $0xb8;
	[tilespmem:$0x1F800] =	vst v63  }
0x25: {  	s24 =	simm.s32 $0x2D8;
	s26 =	simm.s32 $0x11700  }
0x26: {  	[tilespmem:s26], [sflag:$0x2] =	stream.indirect.gather [hbm4b:s3+s11], $0x40, s24, s11, $0xb8;
	[tilespmem:$0x1F800] =	vst v63  }
0x27: {  	s4 =	simm.s32 $0x340  }
0x28: {  	[tilespmem:s29], [sflag:$0x3] =	stream.indirect.gather [hbm4b:s3+s11], $0x40, s4, s11, $0xb8;
	[tilespmem:$0x1F800] =	vst v63  }
0x29: {  	p0 =	por $0x1, $0x1;
	s5 =	simm.s32 $0x3A8;
	s6 =	simm.s32 $0x14900  }
0x2a: {  	[tilespmem:s6], [sflag:$0x3] =	stream.indirect.gather [hbm4b:s3+s11], $0x40, s5, s11, $0xb8;
	[tilespmem:$0x1F800] =	vst v63  }
0x2b: {  	p0 =	por p0, p0;
	s7 =	simm.s32 $0x410;
	s8 =	simm.s32 $0x16200  }
0x2c: {  	[tilespmem:s8], [sflag:$0x3] =	stream.indirect.gather [hbm4b:s3+s11], $0x40, s7, s11, $0xb8;
	[tilespmem:$0x1F800] =	vst v63  }
0x2d: {  	s0 =	simm.s32 @!p0 $0x8;
	s9 =	simm.s32 $0x478;
	s10 =	simm.s32 $0x17B00  }
0x2e: {  	[tilespmem:s10], [sflag:$0x3] =	stream.indirect.gather [hbm4b:s3+s11], $0x40, s9, s11, $0xb8;
	[tilespmem:$0x1F800] =	vst v63  }
0x2f: {  	_ =	swait.ge @!p0 [sflag:s0], $0x6400  }
0x30: {  	[sflag:s0] =	ssyncset.done @!p0 $0x0  }
0x31: {  	s14 =	simm.s32 $0x4E0;
	[sflag:s0] =	ssyncadd.s32 @!p0 $0xFFFF9C00  }
0x32: {  	[tilespmem:s15], [sflag:$0x4] =	stream.indirect.gather [hbm4b:s3+s11], $0x40, s14, s11, $0xb8;
	[tilespmem:$0x1F800] =	vst v63  }
0x33: {  	s22 =	simm.s32 $0x548;
	s21 =	rddreg [dreg:$0x3]  }
0x34: {  	[tilespmem:s21], [sflag:$0x4] =	stream.indirect.gather [hbm4b:s3+s11], $0x40, s22, s11, $0xb8;
	[tilespmem:$0x1F800] =	vst v63  }
0x35: {  	s23 =	simm.s32 $0x5B0;
	s9 =	rddreg [dreg:$0x4]  }
0x36: {  	[tilespmem:s9], [sflag:$0x4] =	stream.indirect.gather [hbm4b:s3+s11], $0x40, s23, s11, $0xb8;
	[tilespmem:$0x1F800] =	vst v63  }
0x37: {  	s26 =	simm.s32 $0x618;
	s24 =	rddreg [dreg:$0x5]  }
0x38: {  	[tilespmem:s24], [sflag:$0x4] =	stream.indirect.gather [hbm4b:s3+s11], $0x40, s26, s11, $0xb8;
	[tilespmem:$0x1F800] =	vst v63  }
0x39: {  	_ =	swait.ge [sflag:s16], $0x6400  }
0x3a: {  	p1 =	por $0x0, $0x0;
	[sflag:s16] =	ssyncset.done $0x0  }
0x3b: {  	s0 =	simm.s32 @!p1 $0x5;
	s6 =	rddreg [dreg:$0xa];
	[sflag:s16] =	ssyncadd.s32 $0xFFFF9C00  }
0x3c: {  	[hbm4b:s6+s2] =	stream.linear.scatter [tilespmem:s12], [sflag:$0x5], $0x6400, $0x38;
	[tilespmem:$0x1F800] =	vst v63  }
0x3d: {  	_ =	swait.ge @!p1 [sflag:s0], $0x6400  }
0x3e: {  	s1 =	simm.s32 @!p1 $0x680;
	[sflag:s0] =	ssyncset.done @!p1 $0x0  }
0x3f: {  	s14 =	simm.s32 @!p1 $0x6800;
	s9 =	simm.s32 @!p1 $0x64;
	[sflag:s0] =	ssyncadd.s32 @!p1 $0xFFFF9C00  }
0x40: {  	[tilespmem:s14], [sflag:$0x1] =	stream.indirect.gather @!p1 [hbm4b:s3+s9], $0x40, s1, s9, $0xb8;
	[tilespmem:$0x1F800] =	vst v63  }
0x41: {  	s0 =	simm.s32 @!p1 $0x6E8;
	s1 =	simm.s32 @!p1 $0x8100  }
0x42: {  	[tilespmem:s1], [sflag:$0x1] =	stream.indirect.gather @!p1 [hbm4b:s3+s9], $0x40, s0, s9, $0xb8;
	[tilespmem:$0x1F800] =	vst v63  }
0x43: {  	s0 =	simm.s32 @!p1 $0x750;
	s1 =	simm.s32 @!p1 $0x9A00  }
0x44: {  	[tilespmem:s1], [sflag:$0x1] =	stream.indirect.gather @!p1 [hbm4b:s3+s9], $0x40, s0, s9, $0xb8;
	[tilespmem:$0x1F800] =	vst v63  }
0x45: {  	s0 =	simm.s32 @!p1 $0x7B8;
	s1 =	simm.s32 @!p1 $0xB300  }
0x46: {  	[tilespmem:s1], [sflag:$0x1] =	stream.indirect.gather @!p1 [hbm4b:s3+s9], $0x40, s0, s9, $0xb8;
	[tilespmem:$0x1F800] =	vst v63  }
0x47: {  	_ =	swait.ge [sflag:s17], $0x6400  }
0x48: {  	[sflag:s17] =	ssyncset.done $0x0  }
0x49: {  	s0 =	simm.s32 @!p1 $0x6;
	s5 =	rddreg [dreg:$0x9];
	[sflag:s17] =	ssyncadd.s32 $0xFFFF9C00  }
0x4a: {  	[hbm4b:s5+s2] =	stream.linear.scatter [tilespmem:s20], [sflag:$0x6], $0x6400, $0x38;
	[tilespmem:$0x1F800] =	vst v63  }
0x4b: {  	_ =	swait.ge @!p1 [sflag:s0], $0x6400  }
0x4c: {  	[sflag:s0] =	ssyncset.done @!p1 $0x0  }
0x4d: {  	s14 =	simm.s32 @!p1 $0xCC00;
	s1 =	simm.s32 @!p1 $0x820;
	[sflag:s0] =	ssyncadd.s32 @!p1 $0xFFFF9C00  }
0x4e: {  	[tilespmem:s14], [sflag:$0x2] =	stream.indirect.gather @!p1 [hbm4b:s3+s9], $0x40, s1, s9, $0xb8;
	[tilespmem:$0x1F800] =	vst v63  }
0x4f: {  	s0 =	simm.s32 @!p1 $0x888;
	s1 =	simm.s32 @!p1 $0xE500  }
0x50: {  	[tilespmem:s1], [sflag:$0x2] =	stream.indirect.gather @!p1 [hbm4b:s3+s9], $0x40, s0, s9, $0xb8;
	[tilespmem:$0x1F800] =	vst v63  }
0x51: {  	s0 =	simm.s32 @!p1 $0x8F0;
	s1 =	simm.s32 @!p1 $0xFE00  }
0x52: {  	[tilespmem:s1], [sflag:$0x2] =	stream.indirect.gather @!p1 [hbm4b:s3+s9], $0x40, s0, s9, $0xb8;
	[tilespmem:$0x1F800] =	vst v63  }
0x53: {  	s0 =	simm.s32 @!p1 $0x958;
	s1 =	simm.s32 @!p1 $0x11700  }
0x54: {  	[tilespmem:s1], [sflag:$0x2] =	stream.indirect.gather @!p1 [hbm4b:s3+s9], $0x40, s0, s9, $0xb8;
	[tilespmem:$0x1F800] =	vst v63  }
0x55: {  	_ =	swait.ge [sflag:s18], $0x6400  }
0x56: {  	[sflag:s18] =	ssyncset.done $0x0  }
0x57: {  	s0 =	simm.s32 @!p1 $0x7;
	s4 =	rddreg [dreg:$0x8];
	[sflag:s18] =	ssyncadd.s32 $0xFFFF9C00  }
0x58: {  	[hbm4b:s4+s2] =	stream.linear.scatter [tilespmem:s29], [sflag:$0x7], $0x6400, $0x38;
	[tilespmem:$0x1F800] =	vst v63  }
0x59: {  	p6 =	por $0x0, $0x0;
	_ =	swait.ge @!p1 [sflag:s0], $0x6400  }
0x5a: {  	s31 =	simm.s32 $0x1A00;
	p0 =	por p6, p6;
	[sflag:s0] =	ssyncset.done @!p1 $0x0  }
0x5b: {  	s14 =	simm.s32 @!p1 $0x13000;
	s1 =	simm.s32 @!p1 $0x9C0;
	[sflag:s0] =	ssyncadd.s32 @!p1 $0xFFFF9C00  }
0x5c: {  	[tilespmem:s14], [sflag:$0x3] =	stream.indirect.gather @!p1 [hbm4b:s3+s9], $0x40, s1, s9, $0xb8;
	[tilespmem:$0x1F800] =	vst v63  }
0x5d: {  	s26 =	sadd.s32 $0x3200, s13;
	s1 =	simm.s32 @!p1 $0xA28;
	s14 =	simm.s32 @!p1 $0x14900  }
0x5e: {  	[tilespmem:s14], [sflag:$0x3] =	stream.indirect.gather @!p1 [hbm4b:s3+s9], $0x40, s1, s9, $0xb8;
	[tilespmem:$0x1F800] =	vst v63  }
0x5f: {  	s30 =	sadd.s32 $0x3200, s5;
	s1 =	simm.s32 @!p1 $0xA90;
	s14 =	simm.s32 @!p1 $0x16200  }
0x60: {  	[tilespmem:s14], [sflag:$0x3] =	stream.indirect.gather @!p1 [hbm4b:s3+s9], $0x40, s1, s9, $0xb8;
	[tilespmem:$0x1F800] =	vst v63  }
0x61: {  	s28 =	sadd.s32 $0x3200, s4;
	s1 =	simm.s32 @!p1 $0xAF8;
	s14 =	simm.s32 @!p1 $0x17B00  }
0x62: {  	[tilespmem:s14], [sflag:$0x3] =	stream.indirect.gather @!p1 [hbm4b:s3+s9], $0x40, s1, s9, $0xb8;
	[tilespmem:$0x1F800] =	vst v63  }
0x63: {  	s0 =	simm.s32 $0x3400;
	s1 =	sadd.s32 $0x3200, s6;
	_ =	swait.ge [sflag:s19], $0x6400  }
0x64: {  	s14 =	simm.s32 @!p0 $0x8;
	s9 =	smov.u32 s13;
	[sflag:s19] =	ssyncset.done $0x0  }
.LBB2_2:
0x65: {  	[sflag:s19] =	ssyncadd.s32 $0xFFFF9C00  }
0x66: {  	[hbm4b:s9+s2] =	stream.linear.scatter [tilespmem:s15], [sflag:$0x8], $0x6400, $0x38;
	[tilespmem:$0x1F800] =	vst v63  }
0x67: {  	_ =	swait.ge @!p0 [sflag:s14], $0x6400  }
0x68: {  	s5 =	sshra.s32 s31, $0x2;
	[sflag:s14] =	ssyncset.done @!p0 $0x0  }
0x69: {  	s21 =	sadd.s32 $0x4E0, s5;
	[sflag:s14] =	ssyncadd.s32 @!p0 $0xFFFF9C00  }
0x6a: {  	[tilespmem:s15], [sflag:$0x4] =	stream.indirect.gather [hbm4b:s3+s11], $0x40, s21, s11, $0xb8;
	[tilespmem:$0x1F800] =	vst v63  }
0x6b: {  	s22 =	sadd.s32 $0x548, s5;
	s10 =	rddreg [dreg:$0x3]  }
0x6c: {  	[tilespmem:s10], [sflag:$0x4] =	stream.indirect.gather [hbm4b:s3+s11], $0x40, s22, s11, $0xb8;
	[tilespmem:$0x1F800] =	vst v63  }
0x6d: {  	s23 =	sadd.s32 $0x5B0, s5;
	s21 =	rddreg [dreg:$0x4]  }
0x6e: {  	[tilespmem:s21], [sflag:$0x4] =	stream.indirect.gather [hbm4b:s3+s11], $0x40, s23, s11, $0xb8;
	[tilespmem:$0x1F800] =	vst v63  }
0x6f: {  	s5 =	sadd.s32 $0x618, s5;
	s24 =	rddreg [dreg:$0x5]  }
0x70: {  	[tilespmem:s24], [sflag:$0x4] =	stream.indirect.gather [hbm4b:s3+s11], $0x40, s5, s11, $0xb8;
	[tilespmem:$0x1F800] =	vst v63  }
0x71: {  	p2 =	seq.s32 s0, $0x0;
	_ =	swait.ge [sflag:s16], $0x6400  }
0x72: {  	p0 =	por p2, p2;
	p2 =	seq.s32 s31, $0x18600;
	[sflag:s16] =	ssyncset.done $0x0  }
0x73: {  	s5 =	simm.s32 @!p2 $0x5;
	[sflag:s16] =	ssyncadd.s32 $0xFFFF9C00  }
0x74: {  	[hbm4b:s1+s2] =	stream.linear.scatter [tilespmem:s12], [sflag:$0x5], $0x6400, $0x38;
	[tilespmem:$0x1F800] =	vst v63  }
0x75: {  	s4 =	smov.u32 s0;
	s14 =	simm.s32 @!p2 $0x64;
	_ =	swait.ge @!p2 [sflag:s5], $0x6400  }
0x76: {  	s10 =	sshra.s32 @!p2 s31, $0x2;
	s31 =	smov.u32 s4;
	[sflag:s5] =	ssyncset.done @!p2 $0x0  }
0x77: {  	s22 =	simm.s32 @!p2 $0x6800;
	s4 =	sadd.s32 @!p2 $0x680, s10;
	[sflag:s5] =	ssyncadd.s32 @!p2 $0xFFFF9C00  }
0x78: {  	[tilespmem:s22], [sflag:$0x1] =	stream.indirect.gather @!p2 [hbm4b:s3+s14], $0x40, s4, s14, $0xb8;
	[tilespmem:$0x1F800] =	vst v63  }
0x79: {  	s21 =	sadd.s32 @!p2 $0x6E8, s10;
	s5 =	simm.s32 @!p2 $0x8100  }
0x7a: {  	[tilespmem:s5], [sflag:$0x1] =	stream.indirect.gather @!p2 [hbm4b:s3+s14], $0x40, s21, s14, $0xb8;
	[tilespmem:$0x1F800] =	vst v63  }
0x7b: {  	s23 =	sadd.s32 @!p2 $0x750, s10;
	s4 =	simm.s32 @!p2 $0x9A00  }
0x7c: {  	[tilespmem:s4], [sflag:$0x1] =	stream.indirect.gather @!p2 [hbm4b:s3+s14], $0x40, s23, s14, $0xb8;
	[tilespmem:$0x1F800] =	vst v63  }
0x7d: {  	s22 =	sadd.s32 @!p2 $0x7B8, s10;
	s5 =	simm.s32 @!p2 $0xB300  }
0x7e: {  	[tilespmem:s5], [sflag:$0x1] =	stream.indirect.gather @!p2 [hbm4b:s3+s14], $0x40, s22, s14, $0xb8;
	[tilespmem:$0x1F800] =	vst v63  }
0x7f: {  	_ =	swait.ge [sflag:s17], $0x6400  }
0x80: {  	[sflag:s17] =	ssyncset.done $0x0  }
0x81: {  	s22 =	simm.s32 @!p2 $0x6;
	[sflag:s17] =	ssyncadd.s32 $0xFFFF9C00  }
0x82: {  	[hbm4b:s30+s2] =	stream.linear.scatter [tilespmem:s20], [sflag:$0x6], $0x6400, $0x38;
	[tilespmem:$0x1F800] =	vst v63  }
0x83: {  	_ =	swait.ge @!p2 [sflag:s22], $0x6400  }
0x84: {  	[sflag:s22] =	ssyncset.done @!p2 $0x0  }
0x85: {  	s8 =	simm.s32 @!p2 $0xCC00;
	s24 =	sadd.s32 @!p2 $0x820, s10;
	[sflag:s22] =	ssyncadd.s32 @!p2 $0xFFFF9C00  }
0x86: {  	[tilespmem:s8], [sflag:$0x2] =	stream.indirect.gather @!p2 [hbm4b:s3+s14], $0x40, s24, s14, $0xb8;
	[tilespmem:$0x1F800] =	vst v63  }
0x87: {  	s21 =	sadd.s32 @!p2 $0x888, s10;
	s22 =	simm.s32 @!p2 $0xE500  }
0x88: {  	[tilespmem:s22], [sflag:$0x2] =	stream.indirect.gather @!p2 [hbm4b:s3+s14], $0x40, s21, s14, $0xb8;
	[tilespmem:$0x1F800] =	vst v63  }
0x89: {  	s6 =	sadd.s32 @!p2 $0x8F0, s10;
	s8 =	simm.s32 @!p2 $0xFE00  }
0x8a: {  	[tilespmem:s8], [sflag:$0x2] =	stream.indirect.gather @!p2 [hbm4b:s3+s14], $0x40, s6, s14, $0xb8;
	[tilespmem:$0x1F800] =	vst v63  }
0x8b: {  	s4 =	sadd.s32 @!p2 $0x958, s10;
	s21 =	simm.s32 @!p2 $0x11700  }
0x8c: {  	[tilespmem:s21], [sflag:$0x2] =	stream.indirect.gather @!p2 [hbm4b:s3+s14], $0x40, s4, s14, $0xb8;
	[tilespmem:$0x1F800] =	vst v63  }
0x8d: {  	_ =	swait.ge [sflag:s18], $0x6400  }
0x8e: {  	[sflag:s18] =	ssyncset.done $0x0  }
0x8f: {  	s4 =	simm.s32 @!p2 $0x7;
	[sflag:s18] =	ssyncadd.s32 $0xFFFF9C00  }
0x90: {  	[hbm4b:s28+s2] =	stream.linear.scatter [tilespmem:s29], [sflag:$0x7], $0x6400, $0x38;
	[tilespmem:$0x1F800] =	vst v63  }
0x91: {  	_ =	swait.ge @!p2 [sflag:s4], $0x6400  }
0x92: {  	[sflag:s4] =	ssyncset.done @!p2 $0x0  }
0x93: {  	s23 =	sadd.s32 @!p2 $0x9C0, s10;
	s6 =	simm.s32 @!p2 $0x13000;
	[sflag:s4] =	ssyncadd.s32 @!p2 $0xFFFF9C00  }
0x94: {  	[tilespmem:s6], [sflag:$0x3] =	stream.indirect.gather @!p2 [hbm4b:s3+s14], $0x40, s23, s14, $0xb8;
	[tilespmem:$0x1F800] =	vst v63  }
0x95: {  	s0 =	sadd.s32 $0x1A00, s0;
	s7 =	sadd.s32 @!p2 $0xA28, s10;
	s4 =	simm.s32 @!p2 $0x14900  }
0x96: {  	[tilespmem:s4], [sflag:$0x3] =	stream.indirect.gather @!p2 [hbm4b:s3+s14], $0x40, s7, s14, $0xb8;
	[tilespmem:$0x1F800] =	vst v63  }
0x97: {  	p1 =	sne.s32 s0, $0x1A000;
	s5 =	sadd.s32 @!p2 $0xA90, s10;
	s6 =	simm.s32 @!p2 $0x16200  }
0x98: {  	[tilespmem:s6], [sflag:$0x3] =	stream.indirect.gather @!p2 [hbm4b:s3+s14], $0x40, s5, s14, $0xb8;
	[tilespmem:$0x1F800] =	vst v63  }
.Ltmp0:
0x99: {  	s9 =	smov.u32 s26;
	(pc) =	sbr.rel @p1 .LBB2_2-.Ltmp0, $4  }
0x9a: {  	s26 =	sadd.s32 $0x3200, s26;
	s10 =	sadd.s32 @!p2 $0xAF8, s10;
	s4 =	simm.s32 @!p2 $0x17B00  }
0x9b: {  	[tilespmem:s4], [sflag:$0x3] =	stream.indirect.gather @!p2 [hbm4b:s3+s14], $0x40, s10, s14, $0xb8;
	[tilespmem:$0x1F800] =	vst v63  }
0x9c: {  	s1 =	sadd.s32 $0x3200, s1;
	s30 =	sadd.s32 $0x3200, s30;
	_ =	swait.ge [sflag:s19], $0x6400  }
0x9d: {  	s28 =	sadd.s32 $0x3200, s28;
	s14 =	simm.s32 @!p0 $0x8;
	[sflag:s19] =	ssyncset.done $0x0  }
0x9e: {  	[sflag:s19] =	ssyncadd.s32 $0xFFFF9C00  }
0x9f: {  	[hbm4b:s9+s2] =	stream.linear.scatter [tilespmem:s15], [sflag:$0x8], $0x6400, $0x38;
	[tilespmem:$0x1F800] =	vst v63  }
0xa0: {  	_ =	swait.ge @!p0 [sflag:s14], $0x6400  }
0xa1: {  	s0 =	sshra.s32 s31, $0x2;
	[sflag:s14] =	ssyncset.done @!p0 $0x0  }
0xa2: {  	s4 =	sadd.s32 $0x4E0, s0;
	[sflag:s14] =	ssyncadd.s32 @!p0 $0xFFFF9C00  }
0xa3: {  	[tilespmem:s15], [sflag:$0x4] =	stream.indirect.gather [hbm4b:s3+s11], $0x40, s4, s11, $0xb8;
	[tilespmem:$0x1F800] =	vst v63  }
0xa4: {  	s21 =	sadd.s32 $0x548, s0;
	s5 =	rddreg [dreg:$0x3]  }
0xa5: {  	[tilespmem:s5], [sflag:$0x4] =	stream.indirect.gather [hbm4b:s3+s11], $0x40, s21, s11, $0xb8;
	[tilespmem:$0x1F800] =	vst v63  }
0xa6: {  	s22 =	sadd.s32 $0x5B0, s0;
	s6 =	rddreg [dreg:$0x4]  }
0xa7: {  	[tilespmem:s6], [sflag:$0x4] =	stream.indirect.gather [hbm4b:s3+s11], $0x40, s22, s11, $0xb8;
	[tilespmem:$0x1F800] =	vst v63  }
0xa8: {  	s0 =	sadd.s32 $0x618, s0;
	s23 =	rddreg [dreg:$0x5]  }
0xa9: {  	[tilespmem:s23], [sflag:$0x4] =	stream.indirect.gather [hbm4b:s3+s11], $0x40, s0, s11, $0xb8;
	[tilespmem:$0x1F800] =	vst v63  }
0xaa: {  	_ =	swait.ge [sflag:s16], $0x6400  }
0xab: {  	p0 =	seq.s32 s31, $0x18600;
	[sflag:s16] =	ssyncset.done $0x0  }
0xac: {  	s0 =	simm.s32 @!p0 $0x5;
	[sflag:s16] =	ssyncadd.s32 $0xFFFF9C00  }
0xad: {  	[hbm4b:s1+s2] =	stream.linear.scatter [tilespmem:s12], [sflag:$0x5], $0x6400, $0x38;
	[tilespmem:$0x1F800] =	vst v63  }
0xae: {  	_ =	swait.ge @!p0 [sflag:s0], $0x6400  }
0xaf: {  	s5 =	simm.s32 @!p0 $0x64;
	s1 =	sshra.s32 @!p0 s31, $0x2;
	[sflag:s0] =	ssyncset.done @!p0 $0x0  }
0xb0: {  	s4 =	sadd.s32 @!p0 $0x680, s1;
	[sflag:s0] =	ssyncadd.s32 @!p0 $0xFFFF9C00;
	s0 =	simm.s32 @!p0 $0x6800  }
0xb1: {  	[tilespmem:s0], [sflag:$0x1] =	stream.indirect.gather @!p0 [hbm4b:s3+s5], $0x40, s4, s5, $0xb8;
	[tilespmem:$0x1F800] =	vst v63  }
0xb2: {  	s0 =	sadd.s32 @!p0 $0x6E8, s1;
	s4 =	simm.s32 @!p0 $0x8100  }
0xb3: {  	[tilespmem:s4], [sflag:$0x1] =	stream.indirect.gather @!p0 [hbm4b:s3+s5], $0x40, s0, s5, $0xb8;
	[tilespmem:$0x1F800] =	vst v63  }
0xb4: {  	s0 =	sadd.s32 @!p0 $0x750, s1;
	s4 =	simm.s32 @!p0 $0x9A00  }
0xb5: {  	[tilespmem:s4], [sflag:$0x1] =	stream.indirect.gather @!p0 [hbm4b:s3+s5], $0x40, s0, s5, $0xb8;
	[tilespmem:$0x1F800] =	vst v63  }
0xb6: {  	s0 =	sadd.s32 @!p0 $0x7B8, s1;
	s4 =	simm.s32 @!p0 $0xB300  }
0xb7: {  	[tilespmem:s4], [sflag:$0x1] =	stream.indirect.gather @!p0 [hbm4b:s3+s5], $0x40, s0, s5, $0xb8;
	[tilespmem:$0x1F800] =	vst v63  }
0xb8: {  	_ =	swait.ge [sflag:s17], $0x6400  }
0xb9: {  	[sflag:s17] =	ssyncset.done $0x0  }
0xba: {  	s0 =	simm.s32 @!p0 $0x6;
	[sflag:s17] =	ssyncadd.s32 $0xFFFF9C00  }
0xbb: {  	[hbm4b:s30+s2] =	stream.linear.scatter [tilespmem:s20], [sflag:$0x6], $0x6400, $0x38;
	[tilespmem:$0x1F800] =	vst v63  }
0xbc: {  	_ =	swait.ge @!p0 [sflag:s0], $0x6400  }
0xbd: {  	[sflag:s0] =	ssyncset.done @!p0 $0x0  }
0xbe: {  	s4 =	sadd.s32 @!p0 $0x820, s1;
	[sflag:s0] =	ssyncadd.s32 @!p0 $0xFFFF9C00;
	s0 =	simm.s32 @!p0 $0xCC00  }
0xbf: {  	[tilespmem:s0], [sflag:$0x2] =	stream.indirect.gather @!p0 [hbm4b:s3+s5], $0x40, s4, s5, $0xb8;
	[tilespmem:$0x1F800] =	vst v63  }
0xc0: {  	s0 =	sadd.s32 @!p0 $0x888, s1;
	s4 =	simm.s32 @!p0 $0xE500  }
0xc1: {  	[tilespmem:s4], [sflag:$0x2] =	stream.indirect.gather @!p0 [hbm4b:s3+s5], $0x40, s0, s5, $0xb8;
	[tilespmem:$0x1F800] =	vst v63  }
0xc2: {  	s0 =	sadd.s32 @!p0 $0x8F0, s1;
	s4 =	simm.s32 @!p0 $0xFE00  }
0xc3: {  	[tilespmem:s4], [sflag:$0x2] =	stream.indirect.gather @!p0 [hbm4b:s3+s5], $0x40, s0, s5, $0xb8;
	[tilespmem:$0x1F800] =	vst v63  }
0xc4: {  	s0 =	sadd.s32 @!p0 $0x958, s1;
	s4 =	simm.s32 @!p0 $0x11700  }
0xc5: {  	[tilespmem:s4], [sflag:$0x2] =	stream.indirect.gather @!p0 [hbm4b:s3+s5], $0x40, s0, s5, $0xb8;
	[tilespmem:$0x1F800] =	vst v63  }
0xc6: {  	_ =	swait.ge [sflag:s18], $0x6400  }
0xc7: {  	[sflag:s18] =	ssyncset.done $0x0  }
0xc8: {  	s0 =	simm.s32 @!p0 $0x7;
	[sflag:s18] =	ssyncadd.s32 $0xFFFF9C00  }
0xc9: {  	[hbm4b:s28+s2] =	stream.linear.scatter [tilespmem:s29], [sflag:$0x7], $0x6400, $0x38;
	[tilespmem:$0x1F800] =	vst v63  }
0xca: {  	_ =	swait.ge @!p0 [sflag:s0], $0x6400  }
0xcb: {  	[sflag:s0] =	ssyncset.done @!p0 $0x0  }
0xcc: {  	s4 =	sadd.s32 @!p0 $0x9C0, s1;
	[sflag:s0] =	ssyncadd.s32 @!p0 $0xFFFF9C00;
	s0 =	simm.s32 @!p0 $0x13000  }
0xcd: {  	[tilespmem:s0], [sflag:$0x3] =	stream.indirect.gather @!p0 [hbm4b:s3+s5], $0x40, s4, s5, $0xb8;
	[tilespmem:$0x1F800] =	vst v63  }
0xce: {  	s0 =	sadd.s32 @!p0 $0xA28, s1;
	s4 =	simm.s32 @!p0 $0x14900  }
0xcf: {  	[tilespmem:s4], [sflag:$0x3] =	stream.indirect.gather @!p0 [hbm4b:s3+s5], $0x40, s0, s5, $0xb8;
	[tilespmem:$0x1F800] =	vst v63  }
0xd0: {  	s0 =	sadd.s32 @!p0 $0xA90, s1;
	s4 =	simm.s32 @!p0 $0x16200  }
0xd1: {  	[tilespmem:s4], [sflag:$0x3] =	stream.indirect.gather @!p0 [hbm4b:s3+s5], $0x40, s0, s5, $0xb8;
	[tilespmem:$0x1F800] =	vst v63  }
0xd2: {  	s0 =	sadd.s32 @!p0 $0xAF8, s1;
	s1 =	simm.s32 @!p0 $0x17B00  }
0xd3: {  	[tilespmem:s1], [sflag:$0x3] =	stream.indirect.gather @!p0 [hbm4b:s3+s5], $0x40, s0, s5, $0xb8;
	[tilespmem:$0x1F800] =	vst v63  }
0xd4: {  	_ =	swait.ge [sflag:s19], $0x6400  }
0xd5: {  	[sflag:s19] =	ssyncset.done $0x0  }
0xd6: {  	s24 =	simm.s32 $0x5;
	[sflag:s19] =	ssyncadd.s32 $0xFFFF9C00  }
0xd7: {  	[hbm4b:s26+s2] =	stream.linear.scatter [tilespmem:s15], [sflag:$0x8], $0x6400, $0x38;
	[tilespmem:$0x1F800] =	vst v63  }
0xd8: {  	_ =	swait.ge [sflag:s24], $0x6400  }
0xd9: {  	[sflag:s24] =	ssyncset.done $0x0  }
0xda: {  	s26 =	simm.s32 $0x6;
	[sflag:s24] =	ssyncadd.s32 $0xFFFF9C00  }
0xdb: {  	_ =	swait.ge [sflag:s26], $0x6400  }
0xdc: {  	[sflag:s26] =	ssyncset.done $0x0  }
0xdd: {  	s28 =	simm.s32 $0x7;
	[sflag:s26] =	ssyncadd.s32 $0xFFFF9C00  }
0xde: {  	_ =	swait.ge [sflag:s28], $0x6400  }
0xdf: {  	[sflag:s28] =	ssyncset.done $0x0  }
0xe0: {  	s30 =	simm.s32 $0x8;
	[sflag:s28] =	ssyncadd.s32 $0xFFFF9C00  }
0xe1: {  	_ =	swait.ge [sflag:s30], $0x6400  }
0xe2: {  	s25 =	sadd.s32 $0x1, s25;
	s31 =	rddreg [dreg:$0x7]  }
0xe3: {  	p0 =	sne.s32 s25, s31  }
.Ltmp1:
0xe4: {  	_ = 	snop;
	(pc) =	sbr.rel @p0 .LBB2_1-.Ltmp1, $3  }
0xe5: {  	_ =	sdelay $0x1  }
0xe6: {  	[sflag:s30] =	ssyncset.done $0x0  }
0xe7: {  	[sflag:s30] =	ssyncadd.s32 $0xFFFF9C00  }
0xe8: {  	_ =	sfence.sel $0x180000  }
0xe9: {  	[bflag:$0x0] =	sbarrier.arrive $0xFFFF  }
0xea: {  	_ =	strace $0x90000047  }
0xeb: {  	s0 =	stileid.u32;
	[bflag:$0x2] =	sbarrier.arrive $0xFFFF  }
0xec: {  	p0 =	sne.s32 s0, $0x0;
	s0 =	rddreg [dreg:$0x2]  }
0xed: {  	s0 =	sadd.s32 @!p0 $0x100000, s0  }
0xee: {  	[sflag:s0] =	ssyncadd.tile.s32 @!p0 $0x1;
	_ =	shalt  }
.Lfunc_end2:
_tile_overlayer_lowered:
.L_overlay_start_2:
0xef: {  	(tag) =	ssettag $0x2  }
0xf0: {  	s0 =	rddreg [dreg:$0x0];
	s2 =	stileid.u32  }
0xf1: {  	s1 =	rddreg [dreg:$0x1];
	p0 =	sne.s32 s2, $0x0  }
0xf2: {  	s3 =	rddreg [dreg:$0x2];
	[bflag:$0x3] =	sbarrier.arrive $0xFFFF;
	s2 =	simm.s32 @!p0 $0x1C09  }
0xf3: {  	[timem:s3], [sflag:s2] =	dma.local @!p0 [hbm:s0], s1  }
0xf4: {  	s0 =	simm.s32 @!p0 $0x9  }
0xf5: {  	_ =	swait.ge @!p0 [sflag:s0], s1  }
0xf6: {  	s1 =	ssub.s32 @!p0 $0x0, s1;
	[sflag:s0] =	ssyncset.done @!p0 $0x0  }
0xf7: {  	[sflag:s0] =	ssyncadd.s32 @!p0 s1  }
0xf8: {  	[bflag:$0x3] =	sbarrier.arrive $0xFFFF  }
0xf9: {  	_ =	shalt  }

// kernel: sparse-core-data-format-call.cloned.1.call-start
scs
called_computation_lowered:
.L_overlay_start_0:
0x0: {  	s2 =	sld [smem:$0x3FD9]  }
0x1: {  	s3 =	sld [smem:$0x3FFE];
	_ =	sdelay $0x1  }
0x2: {  	s1 =	srdreg.scid  }
0x3: {  	s0 =	sand.u32 $0x1, s1  }
0x4: {  	s18 =	sshll.u32 s0, $0xA;
	s2 =	sadd.s32 s3, s2  }
0x5: {  	s2 =	sadd.s32 s2, s18  }
0x6: {  	[smem:$0x3FC6] =	sst s2  }
0x7: {  	_ = 	snop  }
0x8: {  	s2 =	sld [smem:$0x3FD0];
	(tm) =	ssettm $0x1  }
0x9: {  	s19 =	sld [smem:$0x3FFB];
	_ =	sdelay $0x3  }
0xa: {  	_ =	strace s19  }
0xb: {  	s3 =	sld [smem:$0x3FFC];
	_ =	sdelay $0x3  }
0xc: {  	_ =	strace s3  }
0xd: {  	s3 =	sld [smem:$0x3FFD];
	_ =	sdelay $0x3  }
0xe: {  	_ =	strace s3  }
0xf: {  	_ =	strace $0x8FFFFFFF  }
0x10: {  	s20 =	sld [smem:$0x3FDB];
	_ =	sdelay $0x1  }
0x11: {  	s4 =	simm.s32 $_scs_section_size  }
0x12: {  	s5 =	simm.s32 $_size__tile_overlayer_lowered;
	s6 =	simm.s32 $_tile_overlayer_lowered  }
0x13: {  	s23 =	simm.s32 $0x1BFF;
	s22 =	sshll.u32 s6, $0x1;
	s3 =	sadd.s32 s4, s20  }
0x14: {  	s7 =	simm.s32 $0x0;
	s21 =	sshll.u32 s5, $0x1;
	s5 =	sadd.s32 s22, s3  }
0x15: {  	[timem:s7], [sflag:s23] =	dma.local [hbm:s5], s21  }
0x16: {  	_ =	swait.ge [sflag:s23], s21  }
0x17: {  	s4 =	ssub.s32 $0x0, s21;
	[sflag:s23] =	ssyncset.done $0x0  }
0x18: {  	[sflag:s23] =	ssyncadd.s32 s4;
	_ =	sdelay $0x1  }
0x19: {  	s24 =	simm.s32 $0x1B8B  }
0x1a: {  	_ =	swait.ge [sflag:s24], $0x1  }
0x1b: {  	[sflag:s24] =	ssyncset.done $0x0  }
0x1c: {  	s26 =	simm.s32 $0x1B8E;
	s25 =	sld [smem:$0x3FFE];
	[sflag:s24] =	ssyncadd.s32 $0xFFFFFFFF  }
0x1d: {  	s27 =	simm.s32 $execute0_lowered;
	[smem:$0x3FD2] =	sst s26  }
0x1e: {  	s5 =	sshll.u32 s27, $0x1;
	_ =	strace $0x80000049;
	[dreg:$0x1] =	wrdreg $0xFFFFFFFF  }
0x1f: {  	s28 =	simm.s32 $_size_execute0_lowered;
	s3 =	sadd.s32 s3, s5;
	[dreg:$0x0] =	wrdreg $0x0  }
0x20: {  	s5 =	sshll.u32 s28, $0x1;
	[dreg:$0x2] =	wrdreg s3  }
0x21: {  	[dreg:$0x3] =	wrdreg s5  }
0x22: {  	[dreg:$0x4] =	wrdreg $0xC0  }
0x23: {  	_ =	task [dreg:s7], $0x5FFFF  }
0x24: {  	[dreg:$0x1] =	wrdreg $0xFFFFFFFF  }
0x25: {  	[dreg:$0x0] =	wrdreg $0x60  }
0x26: {  	[dreg:$0x2] =	wrdreg s25  }
0x27: {  	[dreg:$0x3] =	wrdreg s2  }
0x28: {  	[dreg:$0x4] =	wrdreg $0x9  }
0x29: {  	_ =	task.clear_ibuf [dreg:s7], $0x5FFFF;
	_ =	strace $0x90000049  }
0x2a: {  	s29 =	simm.s32 $0x9;
	_ =	strace $0x8000004B  }
0x2b: {  	_ =	swait.ge [sflag:s29], $0x1  }
0x2c: {  	[sflag:s29] =	ssyncadd.s32 $0xFFFFFFFF  }
0x2d: {  	_ =	strace $0x9000004B  }
0x2e: {  	_ =	sfence  }
0x2f: {  	s30 =	sld [smem:$0x0];
	_ =	sdelay $0x2  }
0x30: {  	s31 =	sshll.u32 s1, $0xD;
	s1 =	sshrl.u32 s1, $0x2  }
0x31: {  	s3 =	sand.u32 $0x4000, s31;
	s1 =	sadd.s32 s1, s30  }
0x32: {  	s0 =	sor.u32 s3, s0;
	s1 =	sshll.u32 s1, $0x11  }
0x33: {  	s0 =	sor.u32 s1, s0  }
0x34: {  	s0 =	sadd.s32 $0x8F2B, s0  }
0x35: {  	[sflag:s0] =	ssyncadd.remote.s32 $0x1  }
0x36: {  	_ =	sfence.sel $0xFFFF  }
0x37: {  	[dreg:$0x0] =	wrdreg $0xFFFFFFFF;
	(pc) =	sbr.abs _section_cstart, $3  }
0x38: {  	[dreg:$0x1] =	wrdreg $0xFFFFFFFF  }
0x39: {  	_ =	task.clear_ibuf [dreg:s7], $0x2FFFF;
	_ =	strace $0x9FFFFFFF  }
0x3a: {  	(tm) =	ssettm $0x7FFFFFFF  }
0x3b: {  	_ =	shalt  }
tec
execute0_lowered:
.L_overlay_start_1:
0x0: {  	(tag) =	ssettag $0x1  }
0x1: {  	s0 =	srdreg.scid  }
0x2: {  	s1 =	sshll.u32 s0, $0x4  }
0x3: {  	s4 =	rddreg [dreg:$0x0];
	s0 =	stileid.u32;
	s1 =	sand.u32 $0x10, s1  }
0x4: {  	s2 =	rddreg [dreg:$0x1];
	s7 =	simm.s32 $0x1;
	s1 =	sor.u32 s0, s1  }
0x5: {  	s8 =	simm.s32 $0x2;
	s11 =	simm.s32 $0x0;
	s3 =	sshll.u32 s1, $0x7  }
0x6: {  	s10 =	simm.s32 $0x0;
	s4 =	sadd.s32 $0xA00, s4;
	s6 =	ssub.s32 $0xC8000, s3  }
.Ltmp0:
0x7: {  	s1 =	rddreg [dreg:$0x2];
	s5 =	sand.u32 $0xF80, s6;
	(pc) =	sbr.rel .LBB1_1-.Ltmp0, $4  }
0x8: {  	_ =	strace $0x8000004A;
	s9 =	smov.u32 s3;
	p0 =	sne.s32 s5, $0x0  }
0x9: {  	s6 =	sshrl.u32 s6, $0xC;
	s5 =	simm.s32 $0x1;
	s7 =	simm.s32 @!p0 $0x0  }
0xa: {  	[sflag:s5] =	ssyncpa.u1 $0x0;
	p0 =	por $0x0, $0x0;
	s6 =	sadd.s32 s7, s6  }
0xb: {  	[sflag:s8] =	ssyncpa.u1 $0x0;
	s8 =	simm.s32 $0x640000;
	s7 =	sadd.s32 $0x1, s6  }
.LBB1_4:
0xc: {  	s14 =	sshll.u32 s11, $0x3  }
0xd: {  	s30 =	sand.u32 $0x7F, s11;
	s15 =	sand.u32 $0xFFFFFC00, s14  }
0xe: {  	s11 =	sor.u32 s30, s15  }
0xf: {  	s15 =	smulhi.u32 $0x51EB851F, s11  }
0x10: {  	s14 =	smulhi.u32 $0x51EB851F, s14  }
0x11: {  	s15 =	sshrl.u32 s15, $0x12  }
0x12: {  	s14 =	sshrl.u32 s14, $0x12;
	s15 =	smul.u32 $0xC8000, s15  }
0x13: {  	s14 =	sand.u32 $0x3F, s14  }
0x14: {  	s14 =	smul.u32 $0x19000, s14;
	s11 =	ssub.s32 s11, s15  }
0x15: {  	[tilespmem:s13+$0x810 ss:$0x81] =	vst.msk $0xffff, v2;
	s15 =	sand.u32 $0x7, s11  }
0x16: {  	[tilespmem:s13+$0x1020 ss:$0x81] =	vst.msk $0xffff, v0;
	s14 =	sadd.s32 s2, s14;
	s11 =	sshrl.u32 s11, $0x3;
	s15 =	sshll.u32 s15, $0x12  }
0x17: {  	[tilespmem:s13+$0x0 ss:$0x81] =	vst.msk $0xffff, v1;
	s11 =	sadd.s32 s11, s14;
	s31 =	sor.u32 $0x400, s15  }
0x18: {  	[hbm4b:s11+s31] =	stream.strided.scatter [tilespmem:s12], [sflag:$0x2], $0x2000, s8, s31, $0x20;
	[tilespmem:$0x8080] =	vst v63  }
.LBB1_5:
0x19: {  	s13 =	sadd.s32 $0x1000, s9  }
0x1a: {  	p2 =	sgt.s32 s13, $0xC7FFF  }
0x1b: {  	s13 =	smov.u32 @p2 s3;
	p2 =	sne.s32 s10, s7  }
.Ltmp1:
0x1c: {  	p1 =	slt.u32 s10, $0x2;
	(pc) =	sbr.rel @!p2 .LBB1_6-.Ltmp1, $4  }
0x1d: {  	s12 =	simm.s32 @!p1 $0x2  }
0x1e: {  	s14 =	sadd.s32 $0x1, s10;
	_ =	swait.ge @!p1 [sflag:s12], $0x2000  }
0x1f: {  	s11 =	smov.u32 s9;
	p0 =	por !p0, !p0;
	[sflag:s12] =	ssyncset.done @!p1 $0x0  }
0x20: {  	s10 =	smov.u32 s14;
	s9 =	smov.u32 s13;
	[sflag:s12] =	ssyncadd.s32 @!p1 $0xFFFFE000  }
.LBB1_1:
0x21: {  	p1 =	sge.u32 s10, s6  }
0x22: {  	s12 =	sand.u32 @!p1 $0x1FFFFFF, s9  }
0x23: {  	s13 =	smulhi.u32 @!p1 $0x147AE15, s12;
	_ =	sdelay $0x1  }
0x24: {  	s13 =	sshrl.u32 @!p1 s13, $0xC  }
0x25: {  	s13 =	smul.u32 @!p1 $0xC8000, s13;
	_ =	sdelay $0x1  }
0x26: {  	s31 =	sadd.s32 $0xFFFFFFFF, s10;
	s14 =	sxor.u32 @!p1 $0xFFFFFFFF, s10;
	s12 =	ssub.s32 @!p1 s12, s13  }
0x27: {  	s15 =	simm.s32 @!p1 $0x80;
	s14 =	sshll.u32 @!p1 s14, $0xD;
	s12 =	sshll.u32 @!p1 s12, $0x4  }
0x28: {  	s13 =	sand.u32 @!p1 $0x2000, s14;
	s14 =	simm.s32 @!p1 $0x40;
	s12 =	sadd.s32 @!p1 s4, s12  }
0x29: {  	[tilespmem:s13], [sflag:$0x1] =	stream.strided.gather @!p1 [hbm4b:s12+s14], $0x2000, s15, s14, $0x38;
	[tilespmem:$0x8080] =	vst v63  }
0x2a: {  	p1 =	sge.u32 s31, s6  }
.Ltmp2:
0x2b: {  	_ = 	snop;
	(pc) =	sbr.rel @p1 .LBB1_5-.Ltmp2, $1  }
0x2c: {  	_ =	sdelay $0x3  }
0x2d: {  	s12 =	simm.s32 $0x1  }
0x2e: {  	_ =	swait.ge [sflag:s5], $0x2000;
	s12 =	simm.s32 @!p0 $0x0  }
0x2f: {  	[sflag:s5] =	ssyncset.done $0x0;
	s13 =	sshll.u32 s12, $0xD  }
0x30: {  	[sflag:s5] =	ssyncadd.s32 $0xFFFFE000;
	s16 =	sor.u32 $0x20, s13  }
0x31: {  	s12 =	smul.u32 $0x8100, s12;
	v3 =	vld [tilespmem:s16+$0x10]  }
0x32: {  	s30 =	sand.u32 $0x1, s10;
	v2 =	vld [tilespmem:s16+$0xFFFFFFF0]  }
0x33: {  	s13 =	smul.u32 $0x8100, s30;
	s12 =	sshrl.u32 s12, $0x2;
	v0 =	vld [tilespmem:s16+$0x0]  }
0x34: {  	v1 =	vld [tilespmem:s16+$0xFFFFFFE0];
	s14 =	sor.u32 $0x4000, s12  }
0x35: {  	s31 =	sshrl.u32 s13, $0x2;
	s13 =	sadd.s32 $0x0, s14  }
0x36: {  	s15 =	simm.s32 $0x4;
	s16 =	sadd.s32 $0x40, s16;
	s12 =	sor.u32 $0x4000, s31;
	[tilespmem:s13+$0x1830 ss:$0x81] =	vst.msk $0xffff, v3  }
.LBB1_3:
0x37: {  	v3 =	vld [tilespmem:s16+$0x10];
	p1 =	sne.s32 s15, $0x1FC;
	[tilespmem:s13+$0x810 ss:$0x81] =	vst.msk $0xffff, v2;
	s17 =	smov.u32 s15;
	s15 =	sadd.s32 $0x4, s15  }
.Ltmp3:
0x38: {  	v2 =	vld [tilespmem:s16+$0xFFFFFFF0];
	[tilespmem:s13+$0x1020 ss:$0x81] =	vst.msk $0xffff, v0;
	(pc) =	sbr.rel @p1 .LBB1_3-.Ltmp3, $4  }
0x39: {  	v0 =	vld [tilespmem:s16+$0x0];
	[tilespmem:s13+$0x0 ss:$0x81] =	vst.msk $0xffff, v1  }
0x3a: {  	s13 =	sshra.s32 s17, $0x2;
	v1 =	vld [tilespmem:s16+$0xFFFFFFE0]  }
0x3b: {  	s13 =	sadd.s32 s13, s14  }
0x3c: {  	s16 =	sadd.s32 $0x40, s16;
	[tilespmem:s13+$0x1830 ss:$0x81] =	vst.msk $0xffff, v3  }
.Ltmp4:
0x3d: {  	_ = 	snop;
	(pc) =	sbr.rel .LBB1_4-.Ltmp4, $1  }
0x3e: {  	_ =	sdelay $0x3  }
.LBB1_6:
0x3f: {  	_ =	sfence.sel $0x180000  }
0x40: {  	s2 =	simm.s32 $0x1;
	[bflag:$0x0] =	sbarrier.arrive $0xFFFF  }
0x41: {  	s31 =	simm.s32 $0x2;
	[sflag:s2] =	ssyncpa.u1 $0x1  }
0x42: {  	[sflag:s31] =	ssyncpa.u1 $0x1  }
0x43: {  	p0 =	sne.s32 s0, $0x0;
	_ =	strace $0x9000004A  }
0x44: {  	s0 =	sadd.s32 @!p0 $0x100000, s1;
	[bflag:$0x2] =	sbarrier.arrive $0xFFFF  }
0x45: {  	[sflag:s0] =	ssyncadd.tile.s32 @!p0 $0x1;
	_ =	shalt  }
.Lfunc_end1:
_tile_overlayer_lowered:
.L_overlay_start_2:
0x46: {  	(tag) =	ssettag $0x2  }
0x47: {  	s0 =	rddreg [dreg:$0x0];
	s2 =	stileid.u32  }
0x48: {  	s1 =	rddreg [dreg:$0x1];
	p0 =	sne.s32 s2, $0x0  }
0x49: {  	s3 =	rddreg [dreg:$0x2];
	[bflag:$0x3] =	sbarrier.arrive $0xFFFF;
	s2 =	simm.s32 @!p0 $0x1C01  }
0x4a: {  	[timem:s3], [sflag:s2] =	dma.local @!p0 [hbm:s0], s1  }
0x4b: {  	s0 =	simm.s32 @!p0 $0x1  }
0x4c: {  	_ =	swait.ge @!p0 [sflag:s0], s1  }
0x4d: {  	s1 =	ssub.s32 @!p0 $0x0, s1;
	[sflag:s0] =	ssyncset.done @!p0 $0x0  }
0x4e: {  	[sflag:s0] =	ssyncadd.s32 @!p0 s1  }
0x4f: {  	[bflag:$0x3] =	sbarrier.arrive $0xFFFF  }
0x50: {  	_ =	shalt  }

</sc_bundles>
